<compile_context>
chip_gen: v7x
topology: tpu7x:2x2x1
jax: 0.10.2.dev20260603
libtpu: 0.0.44.dev20260713+nightly
codegen_flags: <defaults>
</compile_context>

<pallas_src>
import functools

import jax
import jax.numpy as jnp
from jax import lax
from jax.experimental import pallas as pl
from jax.experimental.pallas import tpu as pltpu
from jax.experimental.pallas import tpu_sc as plsc

LANES = 16


def _xlane_rotate(v, perm):
    dnums = lax.GatherDimensionNumbers(
        offset_dims=(), collapsed_slice_dims=(0,), start_index_map=(0,))
    return lax.gather(v, perm[:, None], dnums, (1,),
                      mode=lax.GatherScatterMode.PROMISE_IN_BOUNDS)


@functools.partial(jax.jit,
                   static_argnames=("rows_cov", "cols", "k_out", "chunk"))
def _sc_pool(x2, idxf, maskf, *, rows_cov, cols, k_out, chunk):
    info = plsc.get_sparse_core_info()
    num_workers = info.num_cores * info.num_subcores
    rows_per_w = rows_cov // num_workers
    nchunks = rows_per_w // chunk
    nvec = cols // LANES
    oflat_per_w = rows_per_w * k_out // 128

    mesh = plsc.VectorSubcoreMesh(core_axis_name="c", subcore_axis_name="s")

    @functools.partial(
        pl.kernel,
        out_type=jax.ShapeDtypeStruct((rows_cov * k_out // 128, 128),
                                      jnp.float32),
        mesh=mesh,
        compiler_params=pltpu.CompilerParams(use_tc_tiling_on_sc=True,
                                             needs_layout_passes=False),
        scratch_types=[
            pltpu.VMEM((cols,), jnp.int32),
            pltpu.VMEM((cols,), jnp.float32),
            pltpu.VMEM((cols // 128 * chunk, 128), jnp.float32),
            pltpu.VMEM((cols // 128 * chunk, 128), jnp.float32),
            pltpu.VMEM((oflat_per_w, 128), jnp.float32),
            pltpu.SemaphoreType.DMA,
            pltpu.SemaphoreType.DMA,
        ],
    )
    def k(x_hbm, idx_hbm, mask_hbm, out_hbm,
          idx_v, mask_v, xbuf0, xbuf1, oslab, sem0, sem1):
        wid = lax.axis_index("s") * info.num_cores + lax.axis_index("c")
        base = wid * rows_per_w
        pltpu.sync_copy(idx_hbm, idx_v)
        pltpu.sync_copy(mask_hbm, mask_v)
        nblk = cols // 128
        mask_regs = [mask_v[pl.ds(LANES * j, LANES)] for j in range(nvec)]
        q_regs = []
        l_regs = []
        for j in range(nvec):
            cidx = idx_v[pl.ds(LANES * j, LANES)]
            q_regs.append(
                lax.shift_right_logical(cidx, 7)
                * jnp.full((LANES,), chunk, jnp.int32))
            l_regs.append(
                lax.bitwise_and(cidx, jnp.full((LANES,), 127, jnp.int32)))
        lanes = lax.iota(jnp.int32, LANES)
        perm8 = lax.rem(lanes + 8, jnp.full((LANES,), 16, jnp.int32))
        perm4 = lax.rem(lanes + 4, jnp.full((LANES,), 16, jnp.int32))
        store_mask = lanes < k_out

        xbufs = (xbuf0, xbuf1)
        sems = (sem0, sem1)

        def start_chunk(cc, buf, sem):
            for cb in range(nblk):
                pltpu.async_copy(
                    x_hbm.at[pl.ds(base + cc * chunk, chunk),
                             pl.ds(cb * 128, 128)],
                    buf.at[pl.ds(cb * chunk, chunk)], sem)

        def wait_chunk(buf, sem):
            for cb in range(nblk):
                pltpu.make_async_copy(
                    x_hbm.at[pl.ds(base, chunk), pl.ds(0, 128)],
                    buf.at[pl.ds(cb * chunk, chunk)], sem).wait()

        start_chunk(0, xbuf0, sem0)
        start_chunk(1, xbuf1, sem1)

        @pl.loop(0, nchunks, step=2)
        def outer(c):
            for b in range(2):
                cur = c + b
                wait_chunk(xbufs[b], sems[b])
                obase = cur * chunk

                @plsc.parallel_loop(0, chunk, unroll=4)
                def row_body(r):
                    rsplat = jnp.full((LANES,), r, jnp.int32)
                    vals = [
                        plsc.load_gather(
                            xbufs[b], [rsplat + q_regs[j], l_regs[j]])
                        * mask_regs[j]
                        for j in range(nvec)
                    ]
                    while len(vals) > 1:
                        vals = [jnp.maximum(vals[2 * i], vals[2 * i + 1])
                                for i in range(len(vals) // 2)]
                    acc = vals[0]
                    acc = jnp.maximum(acc, _xlane_rotate(acc, perm8))
                    acc = jnp.maximum(acc, _xlane_rotate(acc, perm4))
                    f_loc = obase + r
                    srow = jnp.full((LANES,), (f_loc // 128) * k_out,
                                    jnp.int32) + lanes
                    scol = jnp.full((LANES,), f_loc % 128, jnp.int32)
                    plsc.store_scatter(oslab, [srow, scol], acc,
                                       mask=store_mask)

                @pl.when(cur + 2 < nchunks)
                def _():
                    start_chunk(cur + 2, xbufs[b], sems[b])

        pltpu.sync_copy(oslab, out_hbm.at[pl.ds(wid * oflat_per_w,
                                                oflat_per_w)])

    return k(x2, idxf, maskf)


RB = 1024


@functools.partial(jax.jit,
                   static_argnames=("row0", "rows_cov", "cols", "k_out"))
def _tc_pool(x2, idxf, maskf, *, row0, rows_cov, cols, k_out):
    nb = rows_cov // RB

    def body(idx_ref, mask_ref, x_ref, o_ref, p_ref):
        @pl.when(pl.program_id(0) == 0)
        def _():
            src = lax.broadcasted_iota(jnp.int32, (cols, cols), 0)
            tgt = jnp.broadcast_to(idx_ref[0, :][None, :], (cols, cols))
            msk = jnp.broadcast_to(mask_ref[0, :][None, :], (cols, cols))
            p_ref[...] = jnp.where(src == tgt, msk, 0.0)

        col = lax.dot_general(x_ref[...], p_ref[...],
                              (((1,), (0,)), ((), ())),
                              precision=lax.Precision.DEFAULT,
                              preferred_element_type=jnp.float32)
        w = cols
        while w > k_out:
            w //= 2
            col = jnp.maximum(col[:, :w], col[:, w:2 * w])
        o_ref[...] = (col.reshape(RB // 128, 128, k_out)
                      .transpose(0, 2, 1)
                      .reshape(RB * k_out // 128, 128))

    return pl.pallas_call(
        body,
        grid=(nb,),
        in_specs=[
            pl.BlockSpec((1, cols), lambda i: (0, 0)),
            pl.BlockSpec((1, cols), lambda i: (0, 0)),
            pl.BlockSpec((RB, cols), lambda i: (row0 // RB + i, 0)),
        ],
        out_specs=pl.BlockSpec((RB * k_out // 128, 128), lambda i: (i, 0)),
        out_shape=jax.ShapeDtypeStruct((rows_cov * k_out // 128, 128),
                                       jnp.float32),
        scratch_shapes=[pltpu.VMEM((cols, cols), jnp.float32)],
    )(idxf.reshape(1, cols), maskf.reshape(1, cols), x2)


SC_BATCHES = 20


def kernel(input_images, indices, mask):
    b, f, c = input_images.shape
    l, k_out = indices.shape
    rows = b * f
    x2 = input_images.reshape(rows, c)
    idxf = indices.reshape(l * k_out).astype(jnp.int32)
    maskf = mask.reshape(l * k_out).astype(jnp.float32)
    rows_sc = SC_BATCHES * f
    out_sc = _sc_pool(x2, idxf, maskf, rows_cov=rows_sc, cols=l * k_out,
                      k_out=k_out, chunk=128)
    out_tc = _tc_pool(x2, idxf, maskf, row0=rows_sc, rows_cov=rows - rows_sc,
                      cols=l * k_out, k_out=k_out)
    out2 = jnp.concatenate([out_sc, out_tc], axis=0)
    out4 = out2.reshape(b, f // 128, k_out, 128)
    return out4.transpose(0, 1, 3, 2).reshape(b, f, k_out)

# --- scband reference (transcript-rebuilt; emitter-appended) ---
"""Pipeline reference for scband-indexed-max-pool2d-13219909337238 (READ-ONLY COPY).

The authoritative reference and input builder live on the scoring server;
editing this copy changes nothing except your own understanding.
"""

import jax, jax.numpy as jnp
import numpy as np

L = 64
K = 4

def _make_indices():
    idx = np.arange(L * K, dtype=np.int64).reshape(L, K)
    idx[-1, -1] = -1
    return idx

def setup_inputs(seed: int = 0) -> dict:
    key = jax.random.key(seed)
    x = jax.random.normal(key, (32, 2048, 256), dtype=jnp.float32)
    raw = _make_indices()
    # utils.prepare_mask: replace -1 (absent neighbor) with index 0 and build a
    # float mask that zeroes out those padded positions (zero-padding semantics).
    mask = jnp.asarray((raw != -1).astype(np.float32))
    idx = jnp.asarray(np.where(raw == -1, 0, raw).astype(np.int64))
    return {"input_images": x, "indices": idx, "mask": mask}

def reference(input_images, indices, mask):
    # col: (batch, features, L, kernel_size)
    col = input_images[..., indices] * mask
    # faithful to torch.max(col, 2): reduce over dim 2
    out = jnp.max(col, axis=2)
    return out

if __name__ == "__main__":
    import jax
    _d = setup_inputs()
    print(jax.jit(kernel)(*tuple(_d.values())))

</pallas_src>

<mosaic_0001>
#map = affine_map<(d0, d1) -> (0, 0)>
#map1 = affine_map<(d0, d1) -> (0)>
module attributes {stable_mosaic.version = 14 : i64} {
  func.func @k(%arg0: i32, %arg1: i32, %arg2: memref<65536x256xf32, #tpu.memory_space<hbm>>, %arg3: memref<256xi32, #tpu.memory_space<hbm>>, %arg4: memref<256xf32, #tpu.memory_space<hbm>>, %arg5: memref<1280x128xf32, #tpu.memory_space<hbm>>, %arg6: memref<256xi32, #tpu.memory_space<vmem>>, %arg7: memref<256xf32, #tpu.memory_space<vmem>>, %arg8: memref<256x128xf32, #tpu.memory_space<vmem>>, %arg9: memref<256x128xf32, #tpu.memory_space<vmem>>, %arg10: memref<40x128xf32, #tpu.memory_space<vmem>>, %arg11: memref<!tpu.dma_semaphore, #tpu.memory_space<semaphore_mem>>, %arg12: memref<!tpu.dma_semaphore, #tpu.memory_space<semaphore_mem>>) attributes {dimension_semantics = [#tpu.dimension_semantics<core_parallel>, #tpu.dimension_semantics<subcore_parallel>], iteration_bounds = array<i64: 2, 16>, scalar_prefetch = 0 : i64, scratch_operands = 7 : i64, tpu.core_type = #tpu.core_type<sc_vector_subcore>, window_params = [{transform_indices = #map}, {transform_indices = #map1}, {transform_indices = #map1}, {transform_indices = #map}]} {
    %mul3A = arith.constant 2 : i32
    %mul3A_0 = arith.muli %arg1, %mul3A : i32
    %add3A = arith.addi %mul3A_0, %arg0 : i32
    %mul3A_1 = arith.constant 1280 : i32
    %mul3A_2 = arith.muli %add3A, %mul3A_1 : i32
    "tpu.region"() ({
      %run_scoped3A = tpu.sem_alloc : memref<!tpu.dma_semaphore, #tpu.memory_space<semaphore_mem>>
      tpu.enqueue_dma source(%arg3 : memref<256xi32, #tpu.memory_space<hbm>>) target(%arg6 : memref<256xi32, #tpu.memory_space<vmem>>) target_semaphore(%run_scoped3A : memref<!tpu.dma_semaphore, #tpu.memory_space<semaphore_mem>>)
      tpu.wait_dma2 semaphore(%run_scoped3A : memref<!tpu.dma_semaphore, #tpu.memory_space<semaphore_mem>>) src(%arg3 : memref<256xi32, #tpu.memory_space<hbm>>) dst(%arg6 : memref<256xi32, #tpu.memory_space<vmem>>)
      tpu.yield
    }) : () -> ()
    "tpu.region"() ({
      %run_scoped3A = tpu.sem_alloc : memref<!tpu.dma_semaphore, #tpu.memory_space<semaphore_mem>>
      tpu.enqueue_dma source(%arg4 : memref<256xf32, #tpu.memory_space<hbm>>) target(%arg7 : memref<256xf32, #tpu.memory_space<vmem>>) target_semaphore(%run_scoped3A : memref<!tpu.dma_semaphore, #tpu.memory_space<semaphore_mem>>)
      tpu.wait_dma2 semaphore(%run_scoped3A : memref<!tpu.dma_semaphore, #tpu.memory_space<semaphore_mem>>) src(%arg4 : memref<256xf32, #tpu.memory_space<hbm>>) dst(%arg7 : memref<256xf32, #tpu.memory_space<vmem>>)
      tpu.yield
    }) : () -> ()
    %get3A = arith.constant 0 : index
    %get3A_3 = tpu.vector_load %arg7[%get3A] {strides = array<i32>} : memref<256xf32, #tpu.memory_space<vmem>>, vector<16xf32>,
    %get3A_4 = arith.constant 16 : index
    %get3A_5 = tpu.vector_load %arg7[%get3A_4] {strides = array<i32>} : memref<256xf32, #tpu.memory_space<vmem>>, vector<16xf32>,
    %get3A_6 = arith.constant 32 : index
    %get3A_7 = tpu.vector_load %arg7[%get3A_6] {strides = array<i32>} : memref<256xf32, #tpu.memory_space<vmem>>, vector<16xf32>,
    %get3A_8 = arith.constant 48 : index
    %get3A_9 = tpu.vector_load %arg7[%get3A_8] {strides = array<i32>} : memref<256xf32, #tpu.memory_space<vmem>>, vector<16xf32>,
    %get3A_10 = arith.constant 64 : index
    %get3A_11 = tpu.vector_load %arg7[%get3A_10] {strides = array<i32>} : memref<256xf32, #tpu.memory_space<vmem>>, vector<16xf32>,
    %get3A_12 = arith.constant 80 : index
    %get3A_13 = tpu.vector_load %arg7[%get3A_12] {strides = array<i32>} : memref<256xf32, #tpu.memory_space<vmem>>, vector<16xf32>,
    %get3A_14 = arith.constant 96 : index
    %get3A_15 = tpu.vector_load %arg7[%get3A_14] {strides = array<i32>} : memref<256xf32, #tpu.memory_space<vmem>>, vector<16xf32>,
    %get3A_16 = arith.constant 112 : index
    %get3A_17 = tpu.vector_load %arg7[%get3A_16] {strides = array<i32>} : memref<256xf32, #tpu.memory_space<vmem>>, vector<16xf32>,
    %get3A_18 = arith.constant 128 : index
    %get3A_19 = tpu.vector_load %arg7[%get3A_18] {strides = array<i32>} : memref<256xf32, #tpu.memory_space<vmem>>, vector<16xf32>,
    %get3A_20 = arith.constant 144 : index
    %get3A_21 = tpu.vector_load %arg7[%get3A_20] {strides = array<i32>} : memref<256xf32, #tpu.memory_space<vmem>>, vector<16xf32>,
    %get3A_22 = arith.constant 160 : index
    %get3A_23 = tpu.vector_load %arg7[%get3A_22] {strides = array<i32>} : memref<256xf32, #tpu.memory_space<vmem>>, vector<16xf32>,
    %get3A_24 = arith.constant 176 : index
    %get3A_25 = tpu.vector_load %arg7[%get3A_24] {strides = array<i32>} : memref<256xf32, #tpu.memory_space<vmem>>, vector<16xf32>,
    %get3A_26 = arith.constant 192 : index
    %get3A_27 = tpu.vector_load %arg7[%get3A_26] {strides = array<i32>} : memref<256xf32, #tpu.memory_space<vmem>>, vector<16xf32>,
    %get3A_28 = arith.constant 208 : index
    %get3A_29 = tpu.vector_load %arg7[%get3A_28] {strides = array<i32>} : memref<256xf32, #tpu.memory_space<vmem>>, vector<16xf32>,
    %get3A_30 = arith.constant 224 : index
    %get3A_31 = tpu.vector_load %arg7[%get3A_30] {strides = array<i32>} : memref<256xf32, #tpu.memory_space<vmem>>, vector<16xf32>,
    %get3A_32 = arith.constant 240 : index
    %get3A_33 = tpu.vector_load %arg7[%get3A_32] {strides = array<i32>} : memref<256xf32, #tpu.memory_space<vmem>>, vector<16xf32>,
    %get3A_34 = arith.constant 0 : index
    %get3A_35 = tpu.vector_load %arg6[%get3A_34] {strides = array<i32>} : memref<256xi32, #tpu.memory_space<vmem>>, vector<16xi32>,
    %shift_right_logical3A = arith.constant 7 : i32
    %shift_right_logical3A_36 = vector.broadcast %shift_right_logical3A : i32 to vector<16xi32>
    %shift_right_logical3A_37 = arith.shrui %get3A_35, %shift_right_logical3A_36 : vector<16xi32>
    %broadcast_in_dim3A = arith.constant 128 : i32
    %broadcast_in_dim3A_38 = vector.broadcast %broadcast_in_dim3A : i32 to vector<16xi32>
    %mul3A_39 = arith.muli %shift_right_logical3A_37, %broadcast_in_dim3A_38 : vector<16xi32>
    %broadcast_in_dim3A_40 = arith.constant 127 : i32
    %broadcast_in_dim3A_41 = vector.broadcast %broadcast_in_dim3A_40 : i32 to vector<16xi32>
    %and3A = arith.andi %get3A_35, %broadcast_in_dim3A_41 : vector<16xi32>
    %get3A_42 = arith.constant 16 : index
    %get3A_43 = tpu.vector_load %arg6[%get3A_42] {strides = array<i32>} : memref<256xi32, #tpu.memory_space<vmem>>, vector<16xi32>,
    %shift_right_logical3A_44 = arith.constant 7 : i32
    %shift_right_logical3A_45 = vector.broadcast %shift_right_logical3A_44 : i32 to vector<16xi32>
    %shift_right_logical3A_46 = arith.shrui %get3A_43, %shift_right_logical3A_45 : vector<16xi32>
    %broadcast_in_dim3A_47 = arith.constant 128 : i32
    %broadcast_in_dim3A_48 = vector.broadcast %broadcast_in_dim3A_47 : i32 to vector<16xi32>
    %mul3A_49 = arith.muli %shift_right_logical3A_46, %broadcast_in_dim3A_48 : vector<16xi32>
    %broadcast_in_dim3A_50 = arith.constant 127 : i32
    %broadcast_in_dim3A_51 = vector.broadcast %broadcast_in_dim3A_50 : i32 to vector<16xi32>
    %and3A_52 = arith.andi %get3A_43, %broadcast_in_dim3A_51 : vector<16xi32>
    %get3A_53 = arith.constant 32 : index
    %get3A_54 = tpu.vector_load %arg6[%get3A_53] {strides = array<i32>} : memref<256xi32, #tpu.memory_space<vmem>>, vector<16xi32>,
    %shift_right_logical3A_55 = arith.constant 7 : i32
    %shift_right_logical3A_56 = vector.broadcast %shift_right_logical3A_55 : i32 to vector<16xi32>
    %shift_right_logical3A_57 = arith.shrui %get3A_54, %shift_right_logical3A_56 : vector<16xi32>
    %broadcast_in_dim3A_58 = arith.constant 128 : i32
    %broadcast_in_dim3A_59 = vector.broadcast %broadcast_in_dim3A_58 : i32 to vector<16xi32>
    %mul3A_60 = arith.muli %shift_right_logical3A_57, %broadcast_in_dim3A_59 : vector<16xi32>
    %broadcast_in_dim3A_61 = arith.constant 127 : i32
    %broadcast_in_dim3A_62 = vector.broadcast %broadcast_in_dim3A_61 : i32 to vector<16xi32>
    %and3A_63 = arith.andi %get3A_54, %broadcast_in_dim3A_62 : vector<16xi32>
    %get3A_64 = arith.constant 48 : index
    %get3A_65 = tpu.vector_load %arg6[%get3A_64] {strides = array<i32>} : memref<256xi32, #tpu.memory_space<vmem>>, vector<16xi32>,
    %shift_right_logical3A_66 = arith.constant 7 : i32
    %shift_right_logical3A_67 = vector.broadcast %shift_right_logical3A_66 : i32 to vector<16xi32>
    %shift_right_logical3A_68 = arith.shrui %get3A_65, %shift_right_logical3A_67 : vector<16xi32>
    %broadcast_in_dim3A_69 = arith.constant 128 : i32
    %broadcast_in_dim3A_70 = vector.broadcast %broadcast_in_dim3A_69 : i32 to vector<16xi32>
    %mul3A_71 = arith.muli %shift_right_logical3A_68, %broadcast_in_dim3A_70 : vector<16xi32>
    %broadcast_in_dim3A_72 = arith.constant 127 : i32
    %broadcast_in_dim3A_73 = vector.broadcast %broadcast_in_dim3A_72 : i32 to vector<16xi32>
    %and3A_74 = arith.andi %get3A_65, %broadcast_in_dim3A_73 : vector<16xi32>
    %get3A_75 = arith.constant 64 : index
    %get3A_76 = tpu.vector_load %arg6[%get3A_75] {strides = array<i32>} : memref<256xi32, #tpu.memory_space<vmem>>, vector<16xi32>,
    %shift_right_logical3A_77 = arith.constant 7 : i32
    %shift_right_logical3A_78 = vector.broadcast %shift_right_logical3A_77 : i32 to vector<16xi32>
    %shift_right_logical3A_79 = arith.shrui %get3A_76, %shift_right_logical3A_78 : vector<16xi32>
    %broadcast_in_dim3A_80 = arith.constant 128 : i32
    %broadcast_in_dim3A_81 = vector.broadcast %broadcast_in_dim3A_80 : i32 to vector<16xi32>
    %mul3A_82 = arith.muli %shift_right_logical3A_79, %broadcast_in_dim3A_81 : vector<16xi32>
    %broadcast_in_dim3A_83 = arith.constant 127 : i32
    %broadcast_in_dim3A_84 = vector.broadcast %broadcast_in_dim3A_83 : i32 to vector<16xi32>
    %and3A_85 = arith.andi %get3A_76, %broadcast_in_dim3A_84 : vector<16xi32>
    %get3A_86 = arith.constant 80 : index
    %get3A_87 = tpu.vector_load %arg6[%get3A_86] {strides = array<i32>} : memref<256xi32, #tpu.memory_space<vmem>>, vector<16xi32>,
    %shift_right_logical3A_88 = arith.constant 7 : i32
    %shift_right_logical3A_89 = vector.broadcast %shift_right_logical3A_88 : i32 to vector<16xi32>
    %shift_right_logical3A_90 = arith.shrui %get3A_87, %shift_right_logical3A_89 : vector<16xi32>
    %broadcast_in_dim3A_91 = arith.constant 128 : i32
    %broadcast_in_dim3A_92 = vector.broadcast %broadcast_in_dim3A_91 : i32 to vector<16xi32>
    %mul3A_93 = arith.muli %shift_right_logical3A_90, %broadcast_in_dim3A_92 : vector<16xi32>
    %broadcast_in_dim3A_94 = arith.constant 127 : i32
    %broadcast_in_dim3A_95 = vector.broadcast %broadcast_in_dim3A_94 : i32 to vector<16xi32>
    %and3A_96 = arith.andi %get3A_87, %broadcast_in_dim3A_95 : vector<16xi32>
    %get3A_97 = arith.constant 96 : index
    %get3A_98 = tpu.vector_load %arg6[%get3A_97] {strides = array<i32>} : memref<256xi32, #tpu.memory_space<vmem>>, vector<16xi32>,
    %shift_right_logical3A_99 = arith.constant 7 : i32
    %shift_right_logical3A_100 = vector.broadcast %shift_right_logical3A_99 : i32 to vector<16xi32>
    %shift_right_logical3A_101 = arith.shrui %get3A_98, %shift_right_logical3A_100 : vector<16xi32>
    %broadcast_in_dim3A_102 = arith.constant 128 : i32
    %broadcast_in_dim3A_103 = vector.broadcast %broadcast_in_dim3A_102 : i32 to vector<16xi32>
    %mul3A_104 = arith.muli %shift_right_logical3A_101, %broadcast_in_dim3A_103 : vector<16xi32>
    %broadcast_in_dim3A_105 = arith.constant 127 : i32
    %broadcast_in_dim3A_106 = vector.broadcast %broadcast_in_dim3A_105 : i32 to vector<16xi32>
    %and3A_107 = arith.andi %get3A_98, %broadcast_in_dim3A_106 : vector<16xi32>
    %get3A_108 = arith.constant 112 : index
    %get3A_109 = tpu.vector_load %arg6[%get3A_108] {strides = array<i32>} : memref<256xi32, #tpu.memory_space<vmem>>, vector<16xi32>,
    %shift_right_logical3A_110 = arith.constant 7 : i32
    %shift_right_logical3A_111 = vector.broadcast %shift_right_logical3A_110 : i32 to vector<16xi32>
    %shift_right_logical3A_112 = arith.shrui %get3A_109, %shift_right_logical3A_111 : vector<16xi32>
    %broadcast_in_dim3A_113 = arith.constant 128 : i32
    %broadcast_in_dim3A_114 = vector.broadcast %broadcast_in_dim3A_113 : i32 to vector<16xi32>
    %mul3A_115 = arith.muli %shift_right_logical3A_112, %broadcast_in_dim3A_114 : vector<16xi32>
    %broadcast_in_dim3A_116 = arith.constant 127 : i32
    %broadcast_in_dim3A_117 = vector.broadcast %broadcast_in_dim3A_116 : i32 to vector<16xi32>
    %and3A_118 = arith.andi %get3A_109, %broadcast_in_dim3A_117 : vector<16xi32>
    %get3A_119 = arith.constant 128 : index
    %get3A_120 = tpu.vector_load %arg6[%get3A_119] {strides = array<i32>} : memref<256xi32, #tpu.memory_space<vmem>>, vector<16xi32>,
    %shift_right_logical3A_121 = arith.constant 7 : i32
    %shift_right_logical3A_122 = vector.broadcast %shift_right_logical3A_121 : i32 to vector<16xi32>
    %shift_right_logical3A_123 = arith.shrui %get3A_120, %shift_right_logical3A_122 : vector<16xi32>
    %broadcast_in_dim3A_124 = arith.constant 128 : i32
    %broadcast_in_dim3A_125 = vector.broadcast %broadcast_in_dim3A_124 : i32 to vector<16xi32>
    %mul3A_126 = arith.muli %shift_right_logical3A_123, %broadcast_in_dim3A_125 : vector<16xi32>
    %broadcast_in_dim3A_127 = arith.constant 127 : i32
    %broadcast_in_dim3A_128 = vector.broadcast %broadcast_in_dim3A_127 : i32 to vector<16xi32>
    %and3A_129 = arith.andi %get3A_120, %broadcast_in_dim3A_128 : vector<16xi32>
    %get3A_130 = arith.constant 144 : index
    %get3A_131 = tpu.vector_load %arg6[%get3A_130] {strides = array<i32>} : memref<256xi32, #tpu.memory_space<vmem>>, vector<16xi32>,
    %shift_right_logical3A_132 = arith.constant 7 : i32
    %shift_right_logical3A_133 = vector.broadcast %shift_right_logical3A_132 : i32 to vector<16xi32>
    %shift_right_logical3A_134 = arith.shrui %get3A_131, %shift_right_logical3A_133 : vector<16xi32>
    %broadcast_in_dim3A_135 = arith.constant 128 : i32
    %broadcast_in_dim3A_136 = vector.broadcast %broadcast_in_dim3A_135 : i32 to vector<16xi32>
    %mul3A_137 = arith.muli %shift_right_logical3A_134, %broadcast_in_dim3A_136 : vector<16xi32>
    %broadcast_in_dim3A_138 = arith.constant 127 : i32
    %broadcast_in_dim3A_139 = vector.broadcast %broadcast_in_dim3A_138 : i32 to vector<16xi32>
    %and3A_140 = arith.andi %get3A_131, %broadcast_in_dim3A_139 : vector<16xi32>
    %get3A_141 = arith.constant 160 : index
    %get3A_142 = tpu.vector_load %arg6[%get3A_141] {strides = array<i32>} : memref<256xi32, #tpu.memory_space<vmem>>, vector<16xi32>,
    %shift_right_logical3A_143 = arith.constant 7 : i32
    %shift_right_logical3A_144 = vector.broadcast %shift_right_logical3A_143 : i32 to vector<16xi32>
    %shift_right_logical3A_145 = arith.shrui %get3A_142, %shift_right_logical3A_144 : vector<16xi32>
    %broadcast_in_dim3A_146 = arith.constant 128 : i32
    %broadcast_in_dim3A_147 = vector.broadcast %broadcast_in_dim3A_146 : i32 to vector<16xi32>
    %mul3A_148 = arith.muli %shift_right_logical3A_145, %broadcast_in_dim3A_147 : vector<16xi32>
    %broadcast_in_dim3A_149 = arith.constant 127 : i32
    %broadcast_in_dim3A_150 = vector.broadcast %broadcast_in_dim3A_149 : i32 to vector<16xi32>
    %and3A_151 = arith.andi %get3A_142, %broadcast_in_dim3A_150 : vector<16xi32>
    %get3A_152 = arith.constant 176 : index
    %get3A_153 = tpu.vector_load %arg6[%get3A_152] {strides = array<i32>} : memref<256xi32, #tpu.memory_space<vmem>>, vector<16xi32>,
    %shift_right_logical3A_154 = arith.constant 7 : i32
    %shift_right_logical3A_155 = vector.broadcast %shift_right_logical3A_154 : i32 to vector<16xi32>
    %shift_right_logical3A_156 = arith.shrui %get3A_153, %shift_right_logical3A_155 : vector<16xi32>
    %broadcast_in_dim3A_157 = arith.constant 128 : i32
    %broadcast_in_dim3A_158 = vector.broadcast %broadcast_in_dim3A_157 : i32 to vector<16xi32>
    %mul3A_159 = arith.muli %shift_right_logical3A_156, %broadcast_in_dim3A_158 : vector<16xi32>
    %broadcast_in_dim3A_160 = arith.constant 127 : i32
    %broadcast_in_dim3A_161 = vector.broadcast %broadcast_in_dim3A_160 : i32 to vector<16xi32>
    %and3A_162 = arith.andi %get3A_153, %broadcast_in_dim3A_161 : vector<16xi32>
    %get3A_163 = arith.constant 192 : index
    %get3A_164 = tpu.vector_load %arg6[%get3A_163] {strides = array<i32>} : memref<256xi32, #tpu.memory_space<vmem>>, vector<16xi32>,
    %shift_right_logical3A_165 = arith.constant 7 : i32
    %shift_right_logical3A_166 = vector.broadcast %shift_right_logical3A_165 : i32 to vector<16xi32>
    %shift_right_logical3A_167 = arith.shrui %get3A_164, %shift_right_logical3A_166 : vector<16xi32>
    %broadcast_in_dim3A_168 = arith.constant 128 : i32
    %broadcast_in_dim3A_169 = vector.broadcast %broadcast_in_dim3A_168 : i32 to vector<16xi32>
    %mul3A_170 = arith.muli %shift_right_logical3A_167, %broadcast_in_dim3A_169 : vector<16xi32>
    %broadcast_in_dim3A_171 = arith.constant 127 : i32
    %broadcast_in_dim3A_172 = vector.broadcast %broadcast_in_dim3A_171 : i32 to vector<16xi32>
    %and3A_173 = arith.andi %get3A_164, %broadcast_in_dim3A_172 : vector<16xi32>
    %get3A_174 = arith.constant 208 : index
    %get3A_175 = tpu.vector_load %arg6[%get3A_174] {strides = array<i32>} : memref<256xi32, #tpu.memory_space<vmem>>, vector<16xi32>,
    %shift_right_logical3A_176 = arith.constant 7 : i32
    %shift_right_logical3A_177 = vector.broadcast %shift_right_logical3A_176 : i32 to vector<16xi32>
    %shift_right_logical3A_178 = arith.shrui %get3A_175, %shift_right_logical3A_177 : vector<16xi32>
    %broadcast_in_dim3A_179 = arith.constant 128 : i32
    %broadcast_in_dim3A_180 = vector.broadcast %broadcast_in_dim3A_179 : i32 to vector<16xi32>
    %mul3A_181 = arith.muli %shift_right_logical3A_178, %broadcast_in_dim3A_180 : vector<16xi32>
    %broadcast_in_dim3A_182 = arith.constant 127 : i32
    %broadcast_in_dim3A_183 = vector.broadcast %broadcast_in_dim3A_182 : i32 to vector<16xi32>
    %and3A_184 = arith.andi %get3A_175, %broadcast_in_dim3A_183 : vector<16xi32>
    %get3A_185 = arith.constant 224 : index
    %get3A_186 = tpu.vector_load %arg6[%get3A_185] {strides = array<i32>} : memref<256xi32, #tpu.memory_space<vmem>>, vector<16xi32>,
    %shift_right_logical3A_187 = arith.constant 7 : i32
    %shift_right_logical3A_188 = vector.broadcast %shift_right_logical3A_187 : i32 to vector<16xi32>
    %shift_right_logical3A_189 = arith.shrui %get3A_186, %shift_right_logical3A_188 : vector<16xi32>
    %broadcast_in_dim3A_190 = arith.constant 128 : i32
    %broadcast_in_dim3A_191 = vector.broadcast %broadcast_in_dim3A_190 : i32 to vector<16xi32>
    %mul3A_192 = arith.muli %shift_right_logical3A_189, %broadcast_in_dim3A_191 : vector<16xi32>
    %broadcast_in_dim3A_193 = arith.constant 127 : i32
    %broadcast_in_dim3A_194 = vector.broadcast %broadcast_in_dim3A_193 : i32 to vector<16xi32>
    %and3A_195 = arith.andi %get3A_186, %broadcast_in_dim3A_194 : vector<16xi32>
    %get3A_196 = arith.constant 240 : index
    %get3A_197 = tpu.vector_load %arg6[%get3A_196] {strides = array<i32>} : memref<256xi32, #tpu.memory_space<vmem>>, vector<16xi32>,
    %shift_right_logical3A_198 = arith.constant 7 : i32
    %shift_right_logical3A_199 = vector.broadcast %shift_right_logical3A_198 : i32 to vector<16xi32>
    %shift_right_logical3A_200 = arith.shrui %get3A_197, %shift_right_logical3A_199 : vector<16xi32>
    %broadcast_in_dim3A_201 = arith.constant 128 : i32
    %broadcast_in_dim3A_202 = vector.broadcast %broadcast_in_dim3A_201 : i32 to vector<16xi32>
    %mul3A_203 = arith.muli %shift_right_logical3A_200, %broadcast_in_dim3A_202 : vector<16xi32>
    %broadcast_in_dim3A_204 = arith.constant 127 : i32
    %broadcast_in_dim3A_205 = vector.broadcast %broadcast_in_dim3A_204 : i32 to vector<16xi32>
    %and3A_206 = arith.andi %get3A_197, %broadcast_in_dim3A_205 : vector<16xi32>
    %iota3A = tpu.iota {dimensions = array<i32: 0>} : vector<16xi32>
    %add3A_207 = arith.constant 8 : i32
    %add3A_208 = vector.broadcast %add3A_207 : i32 to vector<16xi32>
    %add3A_209 = arith.addi %iota3A, %add3A_208 : vector<16xi32>
    %broadcast_in_dim3A_210 = arith.constant 16 : i32
    %broadcast_in_dim3A_211 = vector.broadcast %broadcast_in_dim3A_210 : i32 to vector<16xi32>
    %rem3A = arith.remsi %add3A_209, %broadcast_in_dim3A_211 : vector<16xi32>
    %add3A_212 = arith.constant 4 : i32
    %add3A_213 = vector.broadcast %add3A_212 : i32 to vector<16xi32>
    %add3A_214 = arith.addi %iota3A, %add3A_213 : vector<16xi32>
    %broadcast_in_dim3A_215 = arith.constant 16 : i32
    %broadcast_in_dim3A_216 = vector.broadcast %broadcast_in_dim3A_215 : i32 to vector<16xi32>
    %rem3A_217 = arith.remsi %add3A_214, %broadcast_in_dim3A_216 : vector<16xi32>
    %lt3A = arith.constant 4 : i32
    %lt3A_218 = vector.broadcast %lt3A : i32 to vector<16xi32>
    %lt3A_219 = arith.cmpi slt, %iota3A, %lt3A_218 : vector<16xi32>
    %add3A_220 = arith.constant 0 : i32
    %add3A_221 = arith.addi %mul3A_2, %add3A_220 : i32
    %dma_start3A = arith.constant 0 : i32
    %dma_start3A_222 = arith.constant 0 : i32
    %dma_start3A_223 = tpu.memref_slice %arg8[%dma_start3A, %dma_start3A_222] : memref<256x128xf32, #tpu.memory_space<vmem>> -> memref<128x128xf32, #tpu.memory_space<vmem>>
    %dma_start3A_224 = arith.constant 0 : i32
    %dma_start3A_225 = tpu.memref_slice %arg2[%add3A_221, %dma_start3A_224] : memref<65536x256xf32, #tpu.memory_space<hbm>> -> memref<128x128xf32, #tpu.memory_space<hbm>>
    %dma_start3A_226 = arith.constant 0 : i32
    %dma_start3A_227 = arith.constant 0 : i32
    %dma_start3A_228 = tpu.memref_slice %arg8[%dma_start3A_226, %dma_start3A_227] : memref<256x128xf32, #tpu.memory_space<vmem>> -> memref<128x128xf32, #tpu.memory_space<vmem>>
    %dma_start3A_229 = arith.constant 0 : i32
    %dma_start3A_230 = tpu.memref_slice %arg2[%add3A_221, %dma_start3A_229] : memref<65536x256xf32, #tpu.memory_space<hbm>> -> memref<128x128xf32, #tpu.memory_space<hbm>>
    tpu.enqueue_dma source(%dma_start3A_230 : memref<128x128xf32, #tpu.memory_space<hbm>>) target(%dma_start3A_228 : memref<128x128xf32, #tpu.memory_space<vmem>>) target_semaphore(%arg11 : memref<!tpu.dma_semaphore, #tpu.memory_space<semaphore_mem>>)
    %add3A_231 = arith.constant 0 : i32
    %add3A_232 = arith.addi %mul3A_2, %add3A_231 : i32
    %dma_start3A_233 = arith.constant 128 : i32
    %dma_start3A_234 = arith.constant 0 : i32
    %dma_start3A_235 = tpu.memref_slice %arg8[%dma_start3A_233, %dma_start3A_234] : memref<256x128xf32, #tpu.memory_space<vmem>> -> memref<128x128xf32, #tpu.memory_space<vmem>>
    %dma_start3A_236 = arith.constant 128 : i32
    %dma_start3A_237 = tpu.memref_slice %arg2[%add3A_232, %dma_start3A_236] : memref<65536x256xf32, #tpu.memory_space<hbm>> -> memref<128x128xf32, #tpu.memory_space<hbm>>
    %dma_start3A_238 = arith.constant 128 : i32
    %dma_start3A_239 = arith.constant 0 : i32
    %dma_start3A_240 = tpu.memref_slice %arg8[%dma_start3A_238, %dma_start3A_239] : memref<256x128xf32, #tpu.memory_space<vmem>> -> memref<128x128xf32, #tpu.memory_space<vmem>>
    %dma_start3A_241 = arith.constant 128 : i32
    %dma_start3A_242 = tpu.memref_slice %arg2[%add3A_232, %dma_start3A_241] : memref<65536x256xf32, #tpu.memory_space<hbm>> -> memref<128x128xf32, #tpu.memory_space<hbm>>
    tpu.enqueue_dma source(%dma_start3A_242 : memref<128x128xf32, #tpu.memory_space<hbm>>) target(%dma_start3A_240 : memref<128x128xf32, #tpu.memory_space<vmem>>) target_semaphore(%arg11 : memref<!tpu.dma_semaphore, #tpu.memory_space<semaphore_mem>>)
    %add3A_243 = arith.constant 128 : i32
    %add3A_244 = arith.addi %mul3A_2, %add3A_243 : i32
    %dma_start3A_245 = arith.constant 0 : i32
    %dma_start3A_246 = arith.constant 0 : i32
    %dma_start3A_247 = tpu.memref_slice %arg9[%dma_start3A_245, %dma_start3A_246] : memref<256x128xf32, #tpu.memory_space<vmem>> -> memref<128x128xf32, #tpu.memory_space<vmem>>
    %dma_start3A_248 = arith.constant 0 : i32
    %dma_start3A_249 = tpu.memref_slice %arg2[%add3A_244, %dma_start3A_248] : memref<65536x256xf32, #tpu.memory_space<hbm>> -> memref<128x128xf32, #tpu.memory_space<hbm>>
    %dma_start3A_250 = arith.constant 0 : i32
    %dma_start3A_251 = arith.constant 0 : i32
    %dma_start3A_252 = tpu.memref_slice %arg9[%dma_start3A_250, %dma_start3A_251] : memref<256x128xf32, #tpu.memory_space<vmem>> -> memref<128x128xf32, #tpu.memory_space<vmem>>
    %dma_start3A_253 = arith.constant 0 : i32
    %dma_start3A_254 = tpu.memref_slice %arg2[%add3A_244, %dma_start3A_253] : memref<65536x256xf32, #tpu.memory_space<hbm>> -> memref<128x128xf32, #tpu.memory_space<hbm>>
    tpu.enqueue_dma source(%dma_start3A_254 : memref<128x128xf32, #tpu.memory_space<hbm>>) target(%dma_start3A_252 : memref<128x128xf32, #tpu.memory_space<vmem>>) target_semaphore(%arg12 : memref<!tpu.dma_semaphore, #tpu.memory_space<semaphore_mem>>)
    %add3A_255 = arith.constant 128 : i32
    %add3A_256 = arith.addi %mul3A_2, %add3A_255 : i32
    %dma_start3A_257 = arith.constant 128 : i32
    %dma_start3A_258 = arith.constant 0 : i32
    %dma_start3A_259 = tpu.memref_slice %arg9[%dma_start3A_257, %dma_start3A_258] : memref<256x128xf32, #tpu.memory_space<vmem>> -> memref<128x128xf32, #tpu.memory_space<vmem>>
    %dma_start3A_260 = arith.constant 128 : i32
    %dma_start3A_261 = tpu.memref_slice %arg2[%add3A_256, %dma_start3A_260] : memref<65536x256xf32, #tpu.memory_space<hbm>> -> memref<128x128xf32, #tpu.memory_space<hbm>>
    %dma_start3A_262 = arith.constant 128 : i32
    %dma_start3A_263 = arith.constant 0 : i32
    %dma_start3A_264 = tpu.memref_slice %arg9[%dma_start3A_262, %dma_start3A_263] : memref<256x128xf32, #tpu.memory_space<vmem>> -> memref<128x128xf32, #tpu.memory_space<vmem>>
    %dma_start3A_265 = arith.constant 128 : i32
    %dma_start3A_266 = tpu.memref_slice %arg2[%add3A_256, %dma_start3A_265] : memref<65536x256xf32, #tpu.memory_space<hbm>> -> memref<128x128xf32, #tpu.memory_space<hbm>>
    tpu.enqueue_dma source(%dma_start3A_266 : memref<128x128xf32, #tpu.memory_space<hbm>>) target(%dma_start3A_264 : memref<128x128xf32, #tpu.memory_space<vmem>>) target_semaphore(%arg12 : memref<!tpu.dma_semaphore, #tpu.memory_space<semaphore_mem>>)
    %scan3A = arith.constant 0 : i32
    %scan3A_267 = arith.constant 5 : i32
    %scan3A_268 = arith.addi %scan3A, %scan3A_267 : i32
    %scan3A_269 = arith.constant 1 : i32
    scf.for %scan3A_273 = %scan3A to %scan3A_268 step %scan3A_269  : i32 {
      %mul3A_274 = arith.constant 2 : i32
      %mul3A_275 = arith.muli %scan3A_273, %mul3A_274 : i32
      %add3A_276 = arith.constant 0 : i32
      %add3A_277 = arith.addi %add3A_276, %mul3A_275 : i32
      %add3A_278 = arith.constant 0 : i32
      %add3A_279 = arith.addi %add3A_277, %add3A_278 : i32
      %dma_wait3A = arith.constant 0 : i32
      %dma_wait3A_280 = arith.constant 0 : i32
      %dma_wait3A_281 = tpu.memref_slice %arg8[%dma_wait3A, %dma_wait3A_280] : memref<256x128xf32, #tpu.memory_space<vmem>> -> memref<128x128xf32, #tpu.memory_space<vmem>>
      %dma_wait3A_282 = arith.constant 0 : i32
      %dma_wait3A_283 = tpu.memref_slice %arg2[%mul3A_2, %dma_wait3A_282] : memref<65536x256xf32, #tpu.memory_space<hbm>> -> memref<128x128xf32, #tpu.memory_space<hbm>>
      %dma_wait3A_284 = arith.constant 0 : i32
      %dma_wait3A_285 = arith.constant 0 : i32
      %dma_wait3A_286 = tpu.memref_slice %arg8[%dma_wait3A_284, %dma_wait3A_285] : memref<256x128xf32, #tpu.memory_space<vmem>> -> memref<128x128xf32, #tpu.memory_space<vmem>>
      %dma_wait3A_287 = arith.constant 0 : i32
      %dma_wait3A_288 = tpu.memref_slice %arg2[%mul3A_2, %dma_wait3A_287] : memref<65536x256xf32, #tpu.memory_space<hbm>> -> memref<128x128xf32, #tpu.memory_space<hbm>>
      tpu.wait_dma2 semaphore(%arg11 : memref<!tpu.dma_semaphore, #tpu.memory_space<semaphore_mem>>) src(%dma_wait3A_288 : memref<128x128xf32, #tpu.memory_space<hbm>>) dst(%dma_wait3A_286 : memref<128x128xf32, #tpu.memory_space<vmem>>)
      %dma_wait3A_289 = arith.constant 128 : i32
      %dma_wait3A_290 = arith.constant 0 : i32
      %dma_wait3A_291 = tpu.memref_slice %arg8[%dma_wait3A_289, %dma_wait3A_290] : memref<256x128xf32, #tpu.memory_space<vmem>> -> memref<128x128xf32, #tpu.memory_space<vmem>>
      %dma_wait3A_292 = arith.constant 0 : i32
      %dma_wait3A_293 = tpu.memref_slice %arg2[%mul3A_2, %dma_wait3A_292] : memref<65536x256xf32, #tpu.memory_space<hbm>> -> memref<128x128xf32, #tpu.memory_space<hbm>>
      %dma_wait3A_294 = arith.constant 128 : i32
      %dma_wait3A_295 = arith.constant 0 : i32
      %dma_wait3A_296 = tpu.memref_slice %arg8[%dma_wait3A_294, %dma_wait3A_295] : memref<256x128xf32, #tpu.memory_space<vmem>> -> memref<128x128xf32, #tpu.memory_space<vmem>>
      %dma_wait3A_297 = arith.constant 0 : i32
      %dma_wait3A_298 = tpu.memref_slice %arg2[%mul3A_2, %dma_wait3A_297] : memref<65536x256xf32, #tpu.memory_space<hbm>> -> memref<128x128xf32, #tpu.memory_space<hbm>>
      tpu.wait_dma2 semaphore(%arg11 : memref<!tpu.dma_semaphore, #tpu.memory_space<semaphore_mem>>) src(%dma_wait3A_298 : memref<128x128xf32, #tpu.memory_space<hbm>>) dst(%dma_wait3A_296 : memref<128x128xf32, #tpu.memory_space<vmem>>)
      %mul3A_299 = arith.constant 128 : i32
      %mul3A_300 = arith.muli %add3A_279, %mul3A_299 : i32
      %parallel_loop3A = arith.constant 0 : i32
      %parallel_loop3A_301 = arith.constant 128 : i32
      %parallel_loop3A_302 = arith.constant 1 : i32
      scf.for %parallel_loop3A_342 = %parallel_loop3A to %parallel_loop3A_301 step %parallel_loop3A_302  : i32 {
        %parallel_loop3A_343 = vector.broadcast %parallel_loop3A_342 : i32 to vector<16xi32>
        %parallel_loop3A_344 = arith.addi %parallel_loop3A_343, %mul3A_39 : vector<16xi32>
        %parallel_loop3A_345 = tpu.vector_load_idx %arg8[%parallel_loop3A_344, %and3A] : memref<256x128xf32, #tpu.memory_space<vmem>>[vector<16xi32>, vector<16xi32>], vector<16xf32>,
        %parallel_loop3A_346 = arith.mulf %parallel_loop3A_345, %get3A_3 : vector<16xf32>
        %parallel_loop3A_347 = arith.addi %parallel_loop3A_343, %mul3A_49 : vector<16xi32>
        %parallel_loop3A_348 = tpu.vector_load_idx %arg8[%parallel_loop3A_347, %and3A_52] : memref<256x128xf32, #tpu.memory_space<vmem>>[vector<16xi32>, vector<16xi32>], vector<16xf32>,
        %parallel_loop3A_349 = arith.mulf %parallel_loop3A_348, %get3A_5 : vector<16xf32>
        %parallel_loop3A_350 = arith.addi %parallel_loop3A_343, %mul3A_60 : vector<16xi32>
        %parallel_loop3A_351 = tpu.vector_load_idx %arg8[%parallel_loop3A_350, %and3A_63] : memref<256x128xf32, #tpu.memory_space<vmem>>[vector<16xi32>, vector<16xi32>], vector<16xf32>,
        %parallel_loop3A_352 = arith.mulf %parallel_loop3A_351, %get3A_7 : vector<16xf32>
        %parallel_loop3A_353 = arith.addi %parallel_loop3A_343, %mul3A_71 : vector<16xi32>
        %parallel_loop3A_354 = tpu.vector_load_idx %arg8[%parallel_loop3A_353, %and3A_74] : memref<256x128xf32, #tpu.memory_space<vmem>>[vector<16xi32>, vector<16xi32>], vector<16xf32>,
        %parallel_loop3A_355 = arith.mulf %parallel_loop3A_354, %get3A_9 : vector<16xf32>
        %parallel_loop3A_356 = arith.addi %parallel_loop3A_343, %mul3A_82 : vector<16xi32>
        %parallel_loop3A_357 = tpu.vector_load_idx %arg8[%parallel_loop3A_356, %and3A_85] : memref<256x128xf32, #tpu.memory_space<vmem>>[vector<16xi32>, vector<16xi32>], vector<16xf32>,
        %parallel_loop3A_358 = arith.mulf %parallel_loop3A_357, %get3A_11 : vector<16xf32>
        %parallel_loop3A_359 = arith.addi %parallel_loop3A_343, %mul3A_93 : vector<16xi32>
        %parallel_loop3A_360 = tpu.vector_load_idx %arg8[%parallel_loop3A_359, %and3A_96] : memref<256x128xf32, #tpu.memory_space<vmem>>[vector<16xi32>, vector<16xi32>], vector<16xf32>,
        %parallel_loop3A_361 = arith.mulf %parallel_loop3A_360, %get3A_13 : vector<16xf32>
        %parallel_loop3A_362 = arith.addi %parallel_loop3A_343, %mul3A_104 : vector<16xi32>
        %parallel_loop3A_363 = tpu.vector_load_idx %arg8[%parallel_loop3A_362, %and3A_107] : memref<256x128xf32, #tpu.memory_space<vmem>>[vector<16xi32>, vector<16xi32>], vector<16xf32>,
        %parallel_loop3A_364 = arith.mulf %parallel_loop3A_363, %get3A_15 : vector<16xf32>
        %parallel_loop3A_365 = arith.addi %parallel_loop3A_343, %mul3A_115 : vector<16xi32>
        %parallel_loop3A_366 = tpu.vector_load_idx %arg8[%parallel_loop3A_365, %and3A_118] : memref<256x128xf32, #tpu.memory_space<vmem>>[vector<16xi32>, vector<16xi32>], vector<16xf32>,
        %parallel_loop3A_367 = arith.mulf %parallel_loop3A_366, %get3A_17 : vector<16xf32>
        %parallel_loop3A_368 = arith.addi %parallel_loop3A_343, %mul3A_126 : vector<16xi32>
        %parallel_loop3A_369 = tpu.vector_load_idx %arg8[%parallel_loop3A_368, %and3A_129] : memref<256x128xf32, #tpu.memory_space<vmem>>[vector<16xi32>, vector<16xi32>], vector<16xf32>,
        %parallel_loop3A_370 = arith.mulf %parallel_loop3A_369, %get3A_19 : vector<16xf32>
        %parallel_loop3A_371 = arith.addi %parallel_loop3A_343, %mul3A_137 : vector<16xi32>
        %parallel_loop3A_372 = tpu.vector_load_idx %arg8[%parallel_loop3A_371, %and3A_140] : memref<256x128xf32, #tpu.memory_space<vmem>>[vector<16xi32>, vector<16xi32>], vector<16xf32>,
        %parallel_loop3A_373 = arith.mulf %parallel_loop3A_372, %get3A_21 : vector<16xf32>
        %parallel_loop3A_374 = arith.addi %parallel_loop3A_343, %mul3A_148 : vector<16xi32>
        %parallel_loop3A_375 = tpu.vector_load_idx %arg8[%parallel_loop3A_374, %and3A_151] : memref<256x128xf32, #tpu.memory_space<vmem>>[vector<16xi32>, vector<16xi32>], vector<16xf32>,
        %parallel_loop3A_376 = arith.mulf %parallel_loop3A_375, %get3A_23 : vector<16xf32>
        %parallel_loop3A_377 = arith.addi %parallel_loop3A_343, %mul3A_159 : vector<16xi32>
        %parallel_loop3A_378 = tpu.vector_load_idx %arg8[%parallel_loop3A_377, %and3A_162] : memref<256x128xf32, #tpu.memory_space<vmem>>[vector<16xi32>, vector<16xi32>], vector<16xf32>,
        %parallel_loop3A_379 = arith.mulf %parallel_loop3A_378, %get3A_25 : vector<16xf32>
        %parallel_loop3A_380 = arith.addi %parallel_loop3A_343, %mul3A_170 : vector<16xi32>
        %parallel_loop3A_381 = tpu.vector_load_idx %arg8[%parallel_loop3A_380, %and3A_173] : memref<256x128xf32, #tpu.memory_space<vmem>>[vector<16xi32>, vector<16xi32>], vector<16xf32>,
        %parallel_loop3A_382 = arith.mulf %parallel_loop3A_381, %get3A_27 : vector<16xf32>
        %parallel_loop3A_383 = arith.addi %parallel_loop3A_343, %mul3A_181 : vector<16xi32>
        %parallel_loop3A_384 = tpu.vector_load_idx %arg8[%parallel_loop3A_383, %and3A_184] : memref<256x128xf32, #tpu.memory_space<vmem>>[vector<16xi32>, vector<16xi32>], vector<16xf32>,
        %parallel_loop3A_385 = arith.mulf %parallel_loop3A_384, %get3A_29 : vector<16xf32>
        %parallel_loop3A_386 = arith.addi %parallel_loop3A_343, %mul3A_192 : vector<16xi32>
        %parallel_loop3A_387 = tpu.vector_load_idx %arg8[%parallel_loop3A_386, %and3A_195] : memref<256x128xf32, #tpu.memory_space<vmem>>[vector<16xi32>, vector<16xi32>], vector<16xf32>,
        %parallel_loop3A_388 = arith.mulf %parallel_loop3A_387, %get3A_31 : vector<16xf32>
        %parallel_loop3A_389 = arith.addi %parallel_loop3A_343, %mul3A_203 : vector<16xi32>
        %parallel_loop3A_390 = tpu.vector_load_idx %arg8[%parallel_loop3A_389, %and3A_206] : memref<256x128xf32, #tpu.memory_space<vmem>>[vector<16xi32>, vector<16xi32>], vector<16xf32>,
        %parallel_loop3A_391 = arith.mulf %parallel_loop3A_390, %get3A_33 : vector<16xf32>
        %parallel_loop3A_392 = arith.maximumf %parallel_loop3A_346, %parallel_loop3A_349 : vector<16xf32>
        %parallel_loop3A_393 = arith.maximumf %parallel_loop3A_352, %parallel_loop3A_355 : vector<16xf32>
        %parallel_loop3A_394 = arith.maximumf %parallel_loop3A_358, %parallel_loop3A_361 : vector<16xf32>
        %parallel_loop3A_395 = arith.maximumf %parallel_loop3A_364, %parallel_loop3A_367 : vector<16xf32>
        %parallel_loop3A_396 = arith.maximumf %parallel_loop3A_370, %parallel_loop3A_373 : vector<16xf32>
        %parallel_loop3A_397 = arith.maximumf %parallel_loop3A_376, %parallel_loop3A_379 : vector<16xf32>
        %parallel_loop3A_398 = arith.maximumf %parallel_loop3A_382, %parallel_loop3A_385 : vector<16xf32>
        %parallel_loop3A_399 = arith.maximumf %parallel_loop3A_388, %parallel_loop3A_391 : vector<16xf32>
        %parallel_loop3A_400 = arith.maximumf %parallel_loop3A_392, %parallel_loop3A_393 : vector<16xf32>
        %parallel_loop3A_401 = arith.maximumf %parallel_loop3A_394, %parallel_loop3A_395 : vector<16xf32>
        %parallel_loop3A_402 = arith.maximumf %parallel_loop3A_396, %parallel_loop3A_397 : vector<16xf32>
        %parallel_loop3A_403 = arith.maximumf %parallel_loop3A_398, %parallel_loop3A_399 : vector<16xf32>
        %parallel_loop3A_404 = arith.maximumf %parallel_loop3A_400, %parallel_loop3A_401 : vector<16xf32>
        %parallel_loop3A_405 = arith.maximumf %parallel_loop3A_402, %parallel_loop3A_403 : vector<16xf32>
        %parallel_loop3A_406 = arith.maximumf %parallel_loop3A_404, %parallel_loop3A_405 : vector<16xf32>
        %parallel_loop3A_407 = vector.shape_cast %rem3A : vector<16xi32> to vector<16x1xi32>
        %parallel_loop3A_408 = vector.shape_cast %parallel_loop3A_407 : vector<16x1xi32> to vector<16xi32>
        %parallel_loop3A_409 = tpu.dynamic_gather %parallel_loop3A_406[%parallel_loop3A_408] in [0] : vector<16xf32>, vector<16xi32> -> vector<16xf32>
        %parallel_loop3A_410 = arith.maximumf %parallel_loop3A_406, %parallel_loop3A_409 : vector<16xf32>
        %parallel_loop3A_411 = vector.shape_cast %rem3A_217 : vector<16xi32> to vector<16x1xi32>
        %parallel_loop3A_412 = vector.shape_cast %parallel_loop3A_411 : vector<16x1xi32> to vector<16xi32>
        %parallel_loop3A_413 = tpu.dynamic_gather %parallel_loop3A_410[%parallel_loop3A_412] in [0] : vector<16xf32>, vector<16xi32> -> vector<16xf32>
        %parallel_loop3A_414 = arith.maximumf %parallel_loop3A_410, %parallel_loop3A_413 : vector<16xf32>
        %parallel_loop3A_415 = arith.addi %mul3A_300, %parallel_loop3A_342 : i32
        %parallel_loop3A_416 = arith.constant 128 : i32
        %parallel_loop3A_417 = arith.divsi %parallel_loop3A_415, %parallel_loop3A_416 : i32
        %parallel_loop3A_418 = arith.constant 0 : i32
        %parallel_loop3A_419 = arith.cmpi sgt, %parallel_loop3A_415, %parallel_loop3A_418 : i32
        %parallel_loop3A_420 = arith.extui %parallel_loop3A_419 : i1 to i32
        %parallel_loop3A_421 = arith.constant 0 : i32
        %parallel_loop3A_422 = arith.cmpi slt, %parallel_loop3A_415, %parallel_loop3A_421 : i32
        %parallel_loop3A_423 = arith.extui %parallel_loop3A_422 : i1 to i32
        %parallel_loop3A_424 = arith.subi %parallel_loop3A_420, %parallel_loop3A_423 : i32
        %parallel_loop3A_425 = arith.constant 0 : i32
        %parallel_loop3A_426 = arith.cmpi sgt, %parallel_loop3A_416, %parallel_loop3A_425 : i32
        %parallel_loop3A_427 = arith.extui %parallel_loop3A_426 : i1 to i32
        %parallel_loop3A_428 = arith.constant 0 : i32
        %parallel_loop3A_429 = arith.cmpi slt, %parallel_loop3A_416, %parallel_loop3A_428 : i32
        %parallel_loop3A_430 = arith.extui %parallel_loop3A_429 : i1 to i32
        %parallel_loop3A_431 = arith.subi %parallel_loop3A_427, %parallel_loop3A_430 : i32
        %parallel_loop3A_432 = arith.cmpi ne, %parallel_loop3A_424, %parallel_loop3A_431 : i32
        %parallel_loop3A_433 = arith.remsi %parallel_loop3A_415, %parallel_loop3A_416 : i32
        %parallel_loop3A_434 = arith.constant 0 : i32
        %parallel_loop3A_435 = arith.cmpi ne, %parallel_loop3A_433, %parallel_loop3A_434 : i32
        %parallel_loop3A_436 = arith.andi %parallel_loop3A_432, %parallel_loop3A_435 : i1
        %parallel_loop3A_437 = arith.constant 1 : i32
        %parallel_loop3A_438 = arith.subi %parallel_loop3A_417, %parallel_loop3A_437 : i32
        %parallel_loop3A_439 = arith.select %parallel_loop3A_436, %parallel_loop3A_438, %parallel_loop3A_417 : i32
        %parallel_loop3A_440 = arith.constant 4 : i32
        %parallel_loop3A_441 = arith.muli %parallel_loop3A_439, %parallel_loop3A_440 : i32
        %parallel_loop3A_442 = vector.broadcast %parallel_loop3A_441 : i32 to vector<16xi32>
        %parallel_loop3A_443 = arith.addi %parallel_loop3A_442, %iota3A : vector<16xi32>
        %parallel_loop3A_444 = arith.constant 128 : i32
        %parallel_loop3A_445 = arith.constant 0 : i32
        %parallel_loop3A_446 = arith.cmpi eq, %parallel_loop3A_444, %parallel_loop3A_445 : i32
        %parallel_loop3A_447 = arith.constant 1 : i32
        %parallel_loop3A_448 = arith.select %parallel_loop3A_446, %parallel_loop3A_447, %parallel_loop3A_444 : i32
        %parallel_loop3A_449 = arith.remsi %parallel_loop3A_415, %parallel_loop3A_448 : i32
        %parallel_loop3A_450 = arith.constant 0 : i32
        %parallel_loop3A_451 = arith.cmpi ne, %parallel_loop3A_449, %parallel_loop3A_450 : i32
        %parallel_loop3A_452 = arith.constant 0 : i32
        %parallel_loop3A_453 = arith.cmpi slt, %parallel_loop3A_449, %parallel_loop3A_452 : i32
        %parallel_loop3A_454 = arith.constant 0 : i32
        %parallel_loop3A_455 = arith.cmpi slt, %parallel_loop3A_448, %parallel_loop3A_454 : i32
        %parallel_loop3A_456 = arith.xori %parallel_loop3A_453, %parallel_loop3A_455 : i1
        %parallel_loop3A_457 = arith.andi %parallel_loop3A_456, %parallel_loop3A_451 : i1
        %parallel_loop3A_458 = arith.addi %parallel_loop3A_449, %parallel_loop3A_448 : i32
        %parallel_loop3A_459 = arith.select %parallel_loop3A_457, %parallel_loop3A_458, %parallel_loop3A_449 : i32
        %parallel_loop3A_460 = vector.broadcast %parallel_loop3A_459 : i32 to vector<16xi32>
        tpu.vector_store_idx %arg10[%parallel_loop3A_443, %parallel_loop3A_460], %parallel_loop3A_414 masked %lt3A_219 : memref<40x128xf32, #tpu.memory_space<vmem>>[vector<16xi32>, vector<16xi32>], vector<16xf32>, vector<16xi1>
      } {sc.loop_unroll_factor = 4 : i64, sc.parallel_access}
      %add3A_303 = arith.constant 2 : i32
      %add3A_304 = arith.addi %add3A_279, %add3A_303 : i32
      %lt3A_305 = arith.constant 10 : i32
      %lt3A_306 = arith.cmpi slt, %add3A_304, %lt3A_305 : i32
      %convert_element_type3A = arith.extui %lt3A_306 : i1 to i32
      %cond3A = arith.constant 0 : i32
      %cond3A_307 = arith.cmpi ne, %convert_element_type3A, %cond3A : i32
      scf.if %cond3A_307 {
        %add3A_342 = arith.constant 2 : i32
        %add3A_343 = arith.addi %add3A_279, %add3A_342 : i32
        %mul3A_344 = arith.constant 128 : i32
        %mul3A_345 = arith.muli %add3A_343, %mul3A_344 : i32
        %add3A_346 = arith.addi %mul3A_2, %mul3A_345 : i32
        %dma_start3A_347 = arith.constant 0 : i32
        %dma_start3A_348 = arith.constant 0 : i32
        %dma_start3A_349 = tpu.memref_slice %arg8[%dma_start3A_347, %dma_start3A_348] : memref<256x128xf32, #tpu.memory_space<vmem>> -> memref<128x128xf32, #tpu.memory_space<vmem>>
        %dma_start3A_350 = arith.constant 0 : i32
        %dma_start3A_351 = tpu.memref_slice %arg2[%add3A_346, %dma_start3A_350] : memref<65536x256xf32, #tpu.memory_space<hbm>> -> memref<128x128xf32, #tpu.memory_space<hbm>>
        %dma_start3A_352 = arith.constant 0 : i32
        %dma_start3A_353 = arith.constant 0 : i32
        %dma_start3A_354 = tpu.memref_slice %arg8[%dma_start3A_352, %dma_start3A_353] : memref<256x128xf32, #tpu.memory_space<vmem>> -> memref<128x128xf32, #tpu.memory_space<vmem>>
        %dma_start3A_355 = arith.constant 0 : i32
        %dma_start3A_356 = tpu.memref_slice %arg2[%add3A_346, %dma_start3A_355] : memref<65536x256xf32, #tpu.memory_space<hbm>> -> memref<128x128xf32, #tpu.memory_space<hbm>>
        tpu.enqueue_dma source(%dma_start3A_356 : memref<128x128xf32, #tpu.memory_space<hbm>>) target(%dma_start3A_354 : memref<128x128xf32, #tpu.memory_space<vmem>>) target_semaphore(%arg11 : memref<!tpu.dma_semaphore, #tpu.memory_space<semaphore_mem>>)
        %mul3A_357 = arith.constant 128 : i32
        %mul3A_358 = arith.muli %add3A_343, %mul3A_357 : i32
        %add3A_359 = arith.addi %mul3A_2, %mul3A_358 : i32
        %dma_start3A_360 = arith.constant 128 : i32
        %dma_start3A_361 = arith.constant 0 : i32
        %dma_start3A_362 = tpu.memref_slice %arg8[%dma_start3A_360, %dma_start3A_361] : memref<256x128xf32, #tpu.memory_space<vmem>> -> memref<128x128xf32, #tpu.memory_space<vmem>>
        %dma_start3A_363 = arith.constant 128 : i32
        %dma_start3A_364 = tpu.memref_slice %arg2[%add3A_359, %dma_start3A_363] : memref<65536x256xf32, #tpu.memory_space<hbm>> -> memref<128x128xf32, #tpu.memory_space<hbm>>
        %dma_start3A_365 = arith.constant 128 : i32
        %dma_start3A_366 = arith.constant 0 : i32
        %dma_start3A_367 = tpu.memref_slice %arg8[%dma_start3A_365, %dma_start3A_366] : memref<256x128xf32, #tpu.memory_space<vmem>> -> memref<128x128xf32, #tpu.memory_space<vmem>>
        %dma_start3A_368 = arith.constant 128 : i32
        %dma_start3A_369 = tpu.memref_slice %arg2[%add3A_359, %dma_start3A_368] : memref<65536x256xf32, #tpu.memory_space<hbm>> -> memref<128x128xf32, #tpu.memory_space<hbm>>
        tpu.enqueue_dma source(%dma_start3A_369 : memref<128x128xf32, #tpu.memory_space<hbm>>) target(%dma_start3A_367 : memref<128x128xf32, #tpu.memory_space<vmem>>) target_semaphore(%arg11 : memref<!tpu.dma_semaphore, #tpu.memory_space<semaphore_mem>>)
      } else {
      }
      %add3A_308 = arith.constant 1 : i32
      %add3A_309 = arith.addi %add3A_277, %add3A_308 : i32
      %dma_wait3A_310 = arith.constant 0 : i32
      %dma_wait3A_311 = arith.constant 0 : i32
      %dma_wait3A_312 = tpu.memref_slice %arg9[%dma_wait3A_310, %dma_wait3A_311] : memref<256x128xf32, #tpu.memory_space<vmem>> -> memref<128x128xf32, #tpu.memory_space<vmem>>
      %dma_wait3A_313 = arith.constant 0 : i32
      %dma_wait3A_314 = tpu.memref_slice %arg2[%mul3A_2, %dma_wait3A_313] : memref<65536x256xf32, #tpu.memory_space<hbm>> -> memref<128x128xf32, #tpu.memory_space<hbm>>
      %dma_wait3A_315 = arith.constant 0 : i32
      %dma_wait3A_316 = arith.constant 0 : i32
      %dma_wait3A_317 = tpu.memref_slice %arg9[%dma_wait3A_315, %dma_wait3A_316] : memref<256x128xf32, #tpu.memory_space<vmem>> -> memref<128x128xf32, #tpu.memory_space<vmem>>
      %dma_wait3A_318 = arith.constant 0 : i32
      %dma_wait3A_319 = tpu.memref_slice %arg2[%mul3A_2, %dma_wait3A_318] : memref<65536x256xf32, #tpu.memory_space<hbm>> -> memref<128x128xf32, #tpu.memory_space<hbm>>
      tpu.wait_dma2 semaphore(%arg12 : memref<!tpu.dma_semaphore, #tpu.memory_space<semaphore_mem>>) src(%dma_wait3A_319 : memref<128x128xf32, #tpu.memory_space<hbm>>) dst(%dma_wait3A_317 : memref<128x128xf32, #tpu.memory_space<vmem>>)
      %dma_wait3A_320 = arith.constant 128 : i32
      %dma_wait3A_321 = arith.constant 0 : i32
      %dma_wait3A_322 = tpu.memref_slice %arg9[%dma_wait3A_320, %dma_wait3A_321] : memref<256x128xf32, #tpu.memory_space<vmem>> -> memref<128x128xf32, #tpu.memory_space<vmem>>
      %dma_wait3A_323 = arith.constant 0 : i32
      %dma_wait3A_324 = tpu.memref_slice %arg2[%mul3A_2, %dma_wait3A_323] : memref<65536x256xf32, #tpu.memory_space<hbm>> -> memref<128x128xf32, #tpu.memory_space<hbm>>
      %dma_wait3A_325 = arith.constant 128 : i32
      %dma_wait3A_326 = arith.constant 0 : i32
      %dma_wait3A_327 = tpu.memref_slice %arg9[%dma_wait3A_325, %dma_wait3A_326] : memref<256x128xf32, #tpu.memory_space<vmem>> -> memref<128x128xf32, #tpu.memory_space<vmem>>
      %dma_wait3A_328 = arith.constant 0 : i32
      %dma_wait3A_329 = tpu.memref_slice %arg2[%mul3A_2, %dma_wait3A_328] : memref<65536x256xf32, #tpu.memory_space<hbm>> -> memref<128x128xf32, #tpu.memory_space<hbm>>
      tpu.wait_dma2 semaphore(%arg12 : memref<!tpu.dma_semaphore, #tpu.memory_space<semaphore_mem>>) src(%dma_wait3A_329 : memref<128x128xf32, #tpu.memory_space<hbm>>) dst(%dma_wait3A_327 : memref<128x128xf32, #tpu.memory_space<vmem>>)
      %mul3A_330 = arith.constant 128 : i32
      %mul3A_331 = arith.muli %add3A_309, %mul3A_330 : i32
      %parallel_loop3A_332 = arith.constant 0 : i32
      %parallel_loop3A_333 = arith.constant 128 : i32
      %parallel_loop3A_334 = arith.constant 1 : i32
      scf.for %parallel_loop3A_342 = %parallel_loop3A_332 to %parallel_loop3A_333 step %parallel_loop3A_334  : i32 {
        %parallel_loop3A_343 = vector.broadcast %parallel_loop3A_342 : i32 to vector<16xi32>
        %parallel_loop3A_344 = arith.addi %parallel_loop3A_343, %mul3A_39 : vector<16xi32>
        %parallel_loop3A_345 = tpu.vector_load_idx %arg9[%parallel_loop3A_344, %and3A] : memref<256x128xf32, #tpu.memory_space<vmem>>[vector<16xi32>, vector<16xi32>], vector<16xf32>,
        %parallel_loop3A_346 = arith.mulf %parallel_loop3A_345, %get3A_3 : vector<16xf32>
        %parallel_loop3A_347 = arith.addi %parallel_loop3A_343, %mul3A_49 : vector<16xi32>
        %parallel_loop3A_348 = tpu.vector_load_idx %arg9[%parallel_loop3A_347, %and3A_52] : memref<256x128xf32, #tpu.memory_space<vmem>>[vector<16xi32>, vector<16xi32>], vector<16xf32>,
        %parallel_loop3A_349 = arith.mulf %parallel_loop3A_348, %get3A_5 : vector<16xf32>
        %parallel_loop3A_350 = arith.addi %parallel_loop3A_343, %mul3A_60 : vector<16xi32>
        %parallel_loop3A_351 = tpu.vector_load_idx %arg9[%parallel_loop3A_350, %and3A_63] : memref<256x128xf32, #tpu.memory_space<vmem>>[vector<16xi32>, vector<16xi32>], vector<16xf32>,
        %parallel_loop3A_352 = arith.mulf %parallel_loop3A_351, %get3A_7 : vector<16xf32>
        %parallel_loop3A_353 = arith.addi %parallel_loop3A_343, %mul3A_71 : vector<16xi32>
        %parallel_loop3A_354 = tpu.vector_load_idx %arg9[%parallel_loop3A_353, %and3A_74] : memref<256x128xf32, #tpu.memory_space<vmem>>[vector<16xi32>, vector<16xi32>], vector<16xf32>,
        %parallel_loop3A_355 = arith.mulf %parallel_loop3A_354, %get3A_9 : vector<16xf32>
        %parallel_loop3A_356 = arith.addi %parallel_loop3A_343, %mul3A_82 : vector<16xi32>
        %parallel_loop3A_357 = tpu.vector_load_idx %arg9[%parallel_loop3A_356, %and3A_85] : memref<256x128xf32, #tpu.memory_space<vmem>>[vector<16xi32>, vector<16xi32>], vector<16xf32>,
        %parallel_loop3A_358 = arith.mulf %parallel_loop3A_357, %get3A_11 : vector<16xf32>
        %parallel_loop3A_359 = arith.addi %parallel_loop3A_343, %mul3A_93 : vector<16xi32>
        %parallel_loop3A_360 = tpu.vector_load_idx %arg9[%parallel_loop3A_359, %and3A_96] : memref<256x128xf32, #tpu.memory_space<vmem>>[vector<16xi32>, vector<16xi32>], vector<16xf32>,
        %parallel_loop3A_361 = arith.mulf %parallel_loop3A_360, %get3A_13 : vector<16xf32>
        %parallel_loop3A_362 = arith.addi %parallel_loop3A_343, %mul3A_104 : vector<16xi32>
        %parallel_loop3A_363 = tpu.vector_load_idx %arg9[%parallel_loop3A_362, %and3A_107] : memref<256x128xf32, #tpu.memory_space<vmem>>[vector<16xi32>, vector<16xi32>], vector<16xf32>,
        %parallel_loop3A_364 = arith.mulf %parallel_loop3A_363, %get3A_15 : vector<16xf32>
        %parallel_loop3A_365 = arith.addi %parallel_loop3A_343, %mul3A_115 : vector<16xi32>
        %parallel_loop3A_366 = tpu.vector_load_idx %arg9[%parallel_loop3A_365, %and3A_118] : memref<256x128xf32, #tpu.memory_space<vmem>>[vector<16xi32>, vector<16xi32>], vector<16xf32>,
        %parallel_loop3A_367 = arith.mulf %parallel_loop3A_366, %get3A_17 : vector<16xf32>
        %parallel_loop3A_368 = arith.addi %parallel_loop3A_343, %mul3A_126 : vector<16xi32>
        %parallel_loop3A_369 = tpu.vector_load_idx %arg9[%parallel_loop3A_368, %and3A_129] : memref<256x128xf32, #tpu.memory_space<vmem>>[vector<16xi32>, vector<16xi32>], vector<16xf32>,
        %parallel_loop3A_370 = arith.mulf %parallel_loop3A_369, %get3A_19 : vector<16xf32>
        %parallel_loop3A_371 = arith.addi %parallel_loop3A_343, %mul3A_137 : vector<16xi32>
        %parallel_loop3A_372 = tpu.vector_load_idx %arg9[%parallel_loop3A_371, %and3A_140] : memref<256x128xf32, #tpu.memory_space<vmem>>[vector<16xi32>, vector<16xi32>], vector<16xf32>,
        %parallel_loop3A_373 = arith.mulf %parallel_loop3A_372, %get3A_21 : vector<16xf32>
        %parallel_loop3A_374 = arith.addi %parallel_loop3A_343, %mul3A_148 : vector<16xi32>
        %parallel_loop3A_375 = tpu.vector_load_idx %arg9[%parallel_loop3A_374, %and3A_151] : memref<256x128xf32, #tpu.memory_space<vmem>>[vector<16xi32>, vector<16xi32>], vector<16xf32>,
        %parallel_loop3A_376 = arith.mulf %parallel_loop3A_375, %get3A_23 : vector<16xf32>
        %parallel_loop3A_377 = arith.addi %parallel_loop3A_343, %mul3A_159 : vector<16xi32>
        %parallel_loop3A_378 = tpu.vector_load_idx %arg9[%parallel_loop3A_377, %and3A_162] : memref<256x128xf32, #tpu.memory_space<vmem>>[vector<16xi32>, vector<16xi32>], vector<16xf32>,
        %parallel_loop3A_379 = arith.mulf %parallel_loop3A_378, %get3A_25 : vector<16xf32>
        %parallel_loop3A_380 = arith.addi %parallel_loop3A_343, %mul3A_170 : vector<16xi32>
        %parallel_loop3A_381 = tpu.vector_load_idx %arg9[%parallel_loop3A_380, %and3A_173] : memref<256x128xf32, #tpu.memory_space<vmem>>[vector<16xi32>, vector<16xi32>], vector<16xf32>,
        %parallel_loop3A_382 = arith.mulf %parallel_loop3A_381, %get3A_27 : vector<16xf32>
        %parallel_loop3A_383 = arith.addi %parallel_loop3A_343, %mul3A_181 : vector<16xi32>
        %parallel_loop3A_384 = tpu.vector_load_idx %arg9[%parallel_loop3A_383, %and3A_184] : memref<256x128xf32, #tpu.memory_space<vmem>>[vector<16xi32>, vector<16xi32>], vector<16xf32>,
        %parallel_loop3A_385 = arith.mulf %parallel_loop3A_384, %get3A_29 : vector<16xf32>
        %parallel_loop3A_386 = arith.addi %parallel_loop3A_343, %mul3A_192 : vector<16xi32>
        %parallel_loop3A_387 = tpu.vector_load_idx %arg9[%parallel_loop3A_386, %and3A_195] : memref<256x128xf32, #tpu.memory_space<vmem>>[vector<16xi32>, vector<16xi32>], vector<16xf32>,
        %parallel_loop3A_388 = arith.mulf %parallel_loop3A_387, %get3A_31 : vector<16xf32>
        %parallel_loop3A_389 = arith.addi %parallel_loop3A_343, %mul3A_203 : vector<16xi32>
        %parallel_loop3A_390 = tpu.vector_load_idx %arg9[%parallel_loop3A_389, %and3A_206] : memref<256x128xf32, #tpu.memory_space<vmem>>[vector<16xi32>, vector<16xi32>], vector<16xf32>,
        %parallel_loop3A_391 = arith.mulf %parallel_loop3A_390, %get3A_33 : vector<16xf32>
        %parallel_loop3A_392 = arith.maximumf %parallel_loop3A_346, %parallel_loop3A_349 : vector<16xf32>
        %parallel_loop3A_393 = arith.maximumf %parallel_loop3A_352, %parallel_loop3A_355 : vector<16xf32>
        %parallel_loop3A_394 = arith.maximumf %parallel_loop3A_358, %parallel_loop3A_361 : vector<16xf32>
        %parallel_loop3A_395 = arith.maximumf %parallel_loop3A_364, %parallel_loop3A_367 : vector<16xf32>
        %parallel_loop3A_396 = arith.maximumf %parallel_loop3A_370, %parallel_loop3A_373 : vector<16xf32>
        %parallel_loop3A_397 = arith.maximumf %parallel_loop3A_376, %parallel_loop3A_379 : vector<16xf32>
        %parallel_loop3A_398 = arith.maximumf %parallel_loop3A_382, %parallel_loop3A_385 : vector<16xf32>
        %parallel_loop3A_399 = arith.maximumf %parallel_loop3A_388, %parallel_loop3A_391 : vector<16xf32>
        %parallel_loop3A_400 = arith.maximumf %parallel_loop3A_392, %parallel_loop3A_393 : vector<16xf32>
        %parallel_loop3A_401 = arith.maximumf %parallel_loop3A_394, %parallel_loop3A_395 : vector<16xf32>
        %parallel_loop3A_402 = arith.maximumf %parallel_loop3A_396, %parallel_loop3A_397 : vector<16xf32>
        %parallel_loop3A_403 = arith.maximumf %parallel_loop3A_398, %parallel_loop3A_399 : vector<16xf32>
        %parallel_loop3A_404 = arith.maximumf %parallel_loop3A_400, %parallel_loop3A_401 : vector<16xf32>
        %parallel_loop3A_405 = arith.maximumf %parallel_loop3A_402, %parallel_loop3A_403 : vector<16xf32>
        %parallel_loop3A_406 = arith.maximumf %parallel_loop3A_404, %parallel_loop3A_405 : vector<16xf32>
        %parallel_loop3A_407 = vector.shape_cast %rem3A : vector<16xi32> to vector<16x1xi32>
        %parallel_loop3A_408 = vector.shape_cast %parallel_loop3A_407 : vector<16x1xi32> to vector<16xi32>
        %parallel_loop3A_409 = tpu.dynamic_gather %parallel_loop3A_406[%parallel_loop3A_408] in [0] : vector<16xf32>, vector<16xi32> -> vector<16xf32>
        %parallel_loop3A_410 = arith.maximumf %parallel_loop3A_406, %parallel_loop3A_409 : vector<16xf32>
        %parallel_loop3A_411 = vector.shape_cast %rem3A_217 : vector<16xi32> to vector<16x1xi32>
        %parallel_loop3A_412 = vector.shape_cast %parallel_loop3A_411 : vector<16x1xi32> to vector<16xi32>
        %parallel_loop3A_413 = tpu.dynamic_gather %parallel_loop3A_410[%parallel_loop3A_412] in [0] : vector<16xf32>, vector<16xi32> -> vector<16xf32>
        %parallel_loop3A_414 = arith.maximumf %parallel_loop3A_410, %parallel_loop3A_413 : vector<16xf32>
        %parallel_loop3A_415 = arith.addi %mul3A_331, %parallel_loop3A_342 : i32
        %parallel_loop3A_416 = arith.constant 128 : i32
        %parallel_loop3A_417 = arith.divsi %parallel_loop3A_415, %parallel_loop3A_416 : i32
        %parallel_loop3A_418 = arith.constant 0 : i32
        %parallel_loop3A_419 = arith.cmpi sgt, %parallel_loop3A_415, %parallel_loop3A_418 : i32
        %parallel_loop3A_420 = arith.extui %parallel_loop3A_419 : i1 to i32
        %parallel_loop3A_421 = arith.constant 0 : i32
        %parallel_loop3A_422 = arith.cmpi slt, %parallel_loop3A_415, %parallel_loop3A_421 : i32
        %parallel_loop3A_423 = arith.extui %parallel_loop3A_422 : i1 to i32
        %parallel_loop3A_424 = arith.subi %parallel_loop3A_420, %parallel_loop3A_423 : i32
        %parallel_loop3A_425 = arith.constant 0 : i32
        %parallel_loop3A_426 = arith.cmpi sgt, %parallel_loop3A_416, %parallel_loop3A_425 : i32
        %parallel_loop3A_427 = arith.extui %parallel_loop3A_426 : i1 to i32
        %parallel_loop3A_428 = arith.constant 0 : i32
        %parallel_loop3A_429 = arith.cmpi slt, %parallel_loop3A_416, %parallel_loop3A_428 : i32
        %parallel_loop3A_430 = arith.extui %parallel_loop3A_429 : i1 to i32
        %parallel_loop3A_431 = arith.subi %parallel_loop3A_427, %parallel_loop3A_430 : i32
        %parallel_loop3A_432 = arith.cmpi ne, %parallel_loop3A_424, %parallel_loop3A_431 : i32
        %parallel_loop3A_433 = arith.remsi %parallel_loop3A_415, %parallel_loop3A_416 : i32
        %parallel_loop3A_434 = arith.constant 0 : i32
        %parallel_loop3A_435 = arith.cmpi ne, %parallel_loop3A_433, %parallel_loop3A_434 : i32
        %parallel_loop3A_436 = arith.andi %parallel_loop3A_432, %parallel_loop3A_435 : i1
        %parallel_loop3A_437 = arith.constant 1 : i32
        %parallel_loop3A_438 = arith.subi %parallel_loop3A_417, %parallel_loop3A_437 : i32
        %parallel_loop3A_439 = arith.select %parallel_loop3A_436, %parallel_loop3A_438, %parallel_loop3A_417 : i32
        %parallel_loop3A_440 = arith.constant 4 : i32
        %parallel_loop3A_441 = arith.muli %parallel_loop3A_439, %parallel_loop3A_440 : i32
        %parallel_loop3A_442 = vector.broadcast %parallel_loop3A_441 : i32 to vector<16xi32>
        %parallel_loop3A_443 = arith.addi %parallel_loop3A_442, %iota3A : vector<16xi32>
        %parallel_loop3A_444 = arith.constant 128 : i32
        %parallel_loop3A_445 = arith.constant 0 : i32
        %parallel_loop3A_446 = arith.cmpi eq, %parallel_loop3A_444, %parallel_loop3A_445 : i32
        %parallel_loop3A_447 = arith.constant 1 : i32
        %parallel_loop3A_448 = arith.select %parallel_loop3A_446, %parallel_loop3A_447, %parallel_loop3A_444 : i32
        %parallel_loop3A_449 = arith.remsi %parallel_loop3A_415, %parallel_loop3A_448 : i32
        %parallel_loop3A_450 = arith.constant 0 : i32
        %parallel_loop3A_451 = arith.cmpi ne, %parallel_loop3A_449, %parallel_loop3A_450 : i32
        %parallel_loop3A_452 = arith.constant 0 : i32
        %parallel_loop3A_453 = arith.cmpi slt, %parallel_loop3A_449, %parallel_loop3A_452 : i32
        %parallel_loop3A_454 = arith.constant 0 : i32
        %parallel_loop3A_455 = arith.cmpi slt, %parallel_loop3A_448, %parallel_loop3A_454 : i32
        %parallel_loop3A_456 = arith.xori %parallel_loop3A_453, %parallel_loop3A_455 : i1
        %parallel_loop3A_457 = arith.andi %parallel_loop3A_456, %parallel_loop3A_451 : i1
        %parallel_loop3A_458 = arith.addi %parallel_loop3A_449, %parallel_loop3A_448 : i32
        %parallel_loop3A_459 = arith.select %parallel_loop3A_457, %parallel_loop3A_458, %parallel_loop3A_449 : i32
        %parallel_loop3A_460 = vector.broadcast %parallel_loop3A_459 : i32 to vector<16xi32>
        tpu.vector_store_idx %arg10[%parallel_loop3A_443, %parallel_loop3A_460], %parallel_loop3A_414 masked %lt3A_219 : memref<40x128xf32, #tpu.memory_space<vmem>>[vector<16xi32>, vector<16xi32>], vector<16xf32>, vector<16xi1>
      } {sc.loop_unroll_factor = 4 : i64, sc.parallel_access}
      %add3A_335 = arith.constant 2 : i32
      %add3A_336 = arith.addi %add3A_309, %add3A_335 : i32
      %lt3A_337 = arith.constant 10 : i32
      %lt3A_338 = arith.cmpi slt, %add3A_336, %lt3A_337 : i32
      %convert_element_type3A_339 = arith.extui %lt3A_338 : i1 to i32
      %cond3A_340 = arith.constant 0 : i32
      %cond3A_341 = arith.cmpi ne, %convert_element_type3A_339, %cond3A_340 : i32
      scf.if %cond3A_341 {
        %add3A_342 = arith.constant 2 : i32
        %add3A_343 = arith.addi %add3A_309, %add3A_342 : i32
        %mul3A_344 = arith.constant 128 : i32
        %mul3A_345 = arith.muli %add3A_343, %mul3A_344 : i32
        %add3A_346 = arith.addi %mul3A_2, %mul3A_345 : i32
        %dma_start3A_347 = arith.constant 0 : i32
        %dma_start3A_348 = arith.constant 0 : i32
        %dma_start3A_349 = tpu.memref_slice %arg9[%dma_start3A_347, %dma_start3A_348] : memref<256x128xf32, #tpu.memory_space<vmem>> -> memref<128x128xf32, #tpu.memory_space<vmem>>
        %dma_start3A_350 = arith.constant 0 : i32
        %dma_start3A_351 = tpu.memref_slice %arg2[%add3A_346, %dma_start3A_350] : memref<65536x256xf32, #tpu.memory_space<hbm>> -> memref<128x128xf32, #tpu.memory_space<hbm>>
        %dma_start3A_352 = arith.constant 0 : i32
        %dma_start3A_353 = arith.constant 0 : i32
        %dma_start3A_354 = tpu.memref_slice %arg9[%dma_start3A_352, %dma_start3A_353] : memref<256x128xf32, #tpu.memory_space<vmem>> -> memref<128x128xf32, #tpu.memory_space<vmem>>
        %dma_start3A_355 = arith.constant 0 : i32
        %dma_start3A_356 = tpu.memref_slice %arg2[%add3A_346, %dma_start3A_355] : memref<65536x256xf32, #tpu.memory_space<hbm>> -> memref<128x128xf32, #tpu.memory_space<hbm>>
        tpu.enqueue_dma source(%dma_start3A_356 : memref<128x128xf32, #tpu.memory_space<hbm>>) target(%dma_start3A_354 : memref<128x128xf32, #tpu.memory_space<vmem>>) target_semaphore(%arg12 : memref<!tpu.dma_semaphore, #tpu.memory_space<semaphore_mem>>)
        %mul3A_357 = arith.constant 128 : i32
        %mul3A_358 = arith.muli %add3A_343, %mul3A_357 : i32
        %add3A_359 = arith.addi %mul3A_2, %mul3A_358 : i32
        %dma_start3A_360 = arith.constant 128 : i32
        %dma_start3A_361 = arith.constant 0 : i32
        %dma_start3A_362 = tpu.memref_slice %arg9[%dma_start3A_360, %dma_start3A_361] : memref<256x128xf32, #tpu.memory_space<vmem>> -> memref<128x128xf32, #tpu.memory_space<vmem>>
        %dma_start3A_363 = arith.constant 128 : i32
        %dma_start3A_364 = tpu.memref_slice %arg2[%add3A_359, %dma_start3A_363] : memref<65536x256xf32, #tpu.memory_space<hbm>> -> memref<128x128xf32, #tpu.memory_space<hbm>>
        %dma_start3A_365 = arith.constant 128 : i32
        %dma_start3A_366 = arith.constant 0 : i32
        %dma_start3A_367 = tpu.memref_slice %arg9[%dma_start3A_365, %dma_start3A_366] : memref<256x128xf32, #tpu.memory_space<vmem>> -> memref<128x128xf32, #tpu.memory_space<vmem>>
        %dma_start3A_368 = arith.constant 128 : i32
        %dma_start3A_369 = tpu.memref_slice %arg2[%add3A_359, %dma_start3A_368] : memref<65536x256xf32, #tpu.memory_space<hbm>> -> memref<128x128xf32, #tpu.memory_space<hbm>>
        tpu.enqueue_dma source(%dma_start3A_369 : memref<128x128xf32, #tpu.memory_space<hbm>>) target(%dma_start3A_367 : memref<128x128xf32, #tpu.memory_space<vmem>>) target_semaphore(%arg12 : memref<!tpu.dma_semaphore, #tpu.memory_space<semaphore_mem>>)
      } else {
      }
    }
    %scan3A_270 = arith.constant 5 : i32
    %mul3A_271 = arith.constant 40 : i32
    %mul3A_272 = arith.muli %add3A, %mul3A_271 : i32
    "tpu.region"() ({
      %run_scoped3A = tpu.sem_alloc : memref<!tpu.dma_semaphore, #tpu.memory_space<semaphore_mem>>
      %dma_start3A_273 = arith.constant 0 : i32
      %dma_start3A_274 = tpu.memref_slice %arg5[%mul3A_272, %dma_start3A_273] : memref<1280x128xf32, #tpu.memory_space<hbm>> -> memref<40x128xf32, #tpu.memory_space<hbm>>
      %dma_start3A_275 = arith.constant 0 : i32
      %dma_start3A_276 = tpu.memref_slice %arg5[%mul3A_272, %dma_start3A_275] : memref<1280x128xf32, #tpu.memory_space<hbm>> -> memref<40x128xf32, #tpu.memory_space<hbm>>
      tpu.enqueue_dma source(%arg10 : memref<40x128xf32, #tpu.memory_space<vmem>>) target(%dma_start3A_276 : memref<40x128xf32, #tpu.memory_space<hbm>>) target_semaphore(%run_scoped3A : memref<!tpu.dma_semaphore, #tpu.memory_space<semaphore_mem>>)
      %dma_wait3A = arith.constant 0 : i32
      %dma_wait3A_277 = tpu.memref_slice %arg5[%mul3A_272, %dma_wait3A] : memref<1280x128xf32, #tpu.memory_space<hbm>> -> memref<40x128xf32, #tpu.memory_space<hbm>>
      %dma_wait3A_278 = arith.constant 0 : i32
      %dma_wait3A_279 = tpu.memref_slice %arg5[%mul3A_272, %dma_wait3A_278] : memref<1280x128xf32, #tpu.memory_space<hbm>> -> memref<40x128xf32, #tpu.memory_space<hbm>>
      tpu.wait_dma2 semaphore(%run_scoped3A : memref<!tpu.dma_semaphore, #tpu.memory_space<semaphore_mem>>) src(%arg10 : memref<40x128xf32, #tpu.memory_space<vmem>>) dst(%dma_wait3A_279 : memref<40x128xf32, #tpu.memory_space<hbm>>)
      tpu.yield
    }) : () -> ()
    return
  }
}

</mosaic_0001>

<sc_bundles>
// kernel: _sc_pool.3.cloned.1.call-start
scs
__scs_entry_jumppad:
0x0: {  	(pc) =	sbr.rel $0x88, $3  }
0x1: {  	(tag) =	ssettag $0x0;
	lr =	simm.s32 $0x1  }
0x2: {  	[smem:$0x3F9E] =	sst lr;
	_ =	strace $0xD0000000  }
0x3: {  	_ = 	snop  }
0x4: {  	_ = 	snop  }
0x5: {  	_ = 	snop  }
0x6: {  	_ = 	snop  }
0x7: {  	_ = 	snop  }
__scs_overlays_trampoline_lowered:
0x8: {  	[smem:$0x3FAD] =	sst s0  }
0x9: {  	[smem:$0x3FAE] =	sst s1  }
0xa: {  	[smem:$0x3FAF] =	sst s2  }
0xb: {  	[smem:$0x3FB0] =	sst s3  }
0xc: {  	[smem:$0x3FB1] =	sst s4  }
0xd: {  	[smem:$0x3FB2] =	sst s5  }
0xe: {  	[smem:$0x3FB3] =	sst s6  }
0xf: {  	[smem:$0x3FB4] =	sst s7  }
0x10: {  	[smem:$0x3FB5] =	sst s8  }
0x11: {  	[smem:$0x3FB6] =	sst s9;
	s0 =	simm.s32 @!p0 $0x0  }
0x12: {  	s1 =	sld [smem:$0x3F9C];
	s0 =	simm.s32 @p0 $0x1  }
0x13: {  	[smem:$0x3FB7] =	sst s0;
	s0 =	simm.s32 @!p1 $0x0  }
0x14: {  	s2 =	sld [smem:$0x3F9B];
	s0 =	simm.s32 @p1 $0x1  }
0x15: {  	[smem:$0x3FB8] =	sst s0;
	s0 =	simm.s32 @!p2 $0x0  }
0x16: {  	s3 =	sld [smem:$0x3FDB];
	s0 =	simm.s32 @p2 $0x1  }
0x17: {  	s4 =	simm.s32 $0x1BF5;
	[smem:$0x3FBA] =	sst s0  }
0x18: {  	s0 =	sld [smem:$0x3F9D];
	_ =	swait.ge [sflag:s4], $0x0  }
0x19: {  	s7 =	sld [smem:$0x3F9E]  }
0x1a: {  	s8 =	sadd.s32 $0xFFFFE003, lr  }
0x1b: {  	s9 =	sadd.s32 $0xFFFFFEF7, lr;
	s5 =	simm.s32 $0xFFFFFFFF;
	p2 =	slt.u32 s8, $0xFFFFF086  }
0x1c: {  	p1 =	slt.u32 s9, $0xF7A;
	s5 =	simm.s32 @!p2 $0x0  }
0x1d: {  	s5 =	simm.s32 @p1 $0x1;
	p0 =	seq.s32 s7, s2  }
0x1e: {  	s7 =	smul.u32 @!p0 $0xF7A, s2;
	p2 =	seq.s32 @!p0 s5, $0x0  }
0x1f: {  	s9 =	smul.u32 $0xF7A, s1;
	s8 =	simm.s32 @!p0 $0x1BF5;
	p2 =	por !p2, p0  }
0x20: {  	[sflag:s8] =	ssyncset.s32 @!p0 $0xFFFFF086;
	s6 =	sadd.s32 @!p0 s3, s7;
	s7 =	simm.s32 @!p0 $0x108  }
0x21: {  	s3 =	sadd.s32 s3, s9;
	s6 =	sadd.s32 @!p0 $0x88, s6;
	s7 =	simm.s32 @p2 $0x1082  }
0x22: {  	[simem:s7], [sflag:s8] =	dma.local @!p0 [hbm:s6], $0xF7A  }
0x23: {  	s9 =	sor.u32 $0xD0000000, s2;
	s6 =	simm.s32 $0x108;
	_ =	swait.ge @!p0 [sflag:s8], $0x0  }
0x24: {  	s3 =	sadd.s32 $0x88, s3;
	s6 =	simm.s32 @!p1 $0x1082;
	[sflag:s4] =	ssyncset.s32 $0xFFFFF086  }
0x25: {  	[simem:s6], [sflag:s4] =	dma.local [hbm:s3], $0xF7A  }
0x26: {  	[smem:$0x3F9E] =	sst s1;
	(tag) =	ssettag s2;
	_ =	strace s9  }
0x27: {  	s1 =	sld [smem:$0x3FAE]  }
0x28: {  	s2 =	sld [smem:$0x3FAF]  }
0x29: {  	s4 =	sld [smem:$0x3FB1]  }
0x2a: {  	p0 =	seq.s32 s5, $0x0;
	s5 =	sld [smem:$0x3FB2]  }
0x2b: {  	s6 =	sld [smem:$0x3FB3]  }
0x2c: {  	s7 =	sld [smem:$0x3FB4]  }
0x2d: {  	s3 =	simm.s32 $0x108;
	s8 =	sld [smem:$0x3FB5]  }
0x2e: {  	s3 =	simm.s32 @!p0 $0x1082;
	s9 =	sld [smem:$0x3FB6]  }
0x2f: {  	lr =	sadd.s32 s0, s3;
	s0 =	sld [smem:$0x3FAD]  }
0x30: {  	s3 =	sld [smem:$0x3FB0]  }
0x31: {  	[smem:$0x3FB9] =	sst s10  }
0x32: {  	s10 =	sld [smem:$0x3FB7];
	_ =	sdelay $0x3  }
0x33: {  	p0 =	seq.s32 s10, $0x1;
	s10 =	sld [smem:$0x3FB9];
	_ =	sdelay $0x3  }
0x34: {  	[smem:$0x3FB9] =	sst s10  }
0x35: {  	s10 =	sld [smem:$0x3FB8];
	_ =	sdelay $0x3  }
0x36: {  	p1 =	seq.s32 s10, $0x1;
	s10 =	sld [smem:$0x3FB9];
	_ =	sdelay $0x3  }
0x37: {  	[smem:$0x3FB9] =	sst s10  }
0x38: {  	s10 =	sld [smem:$0x3FBA]  }
0x39: {  	_ = 	snop;
	(pc) =	sbr.ind lr, $3  }
0x3a: {  	_ = 	snop  }
0x3b: {  	_ = 	snop  }
0x3c: {  	p2 =	seq.s32 s10, $0x1;
	s10 =	sld [smem:$0x3FB9]  }
0x3d: {  	_ =	shalt  }
0x3e: {  	_ =	shalt  }
0x3f: {  	_ =	shalt  }
0x40: {  	_ =	shalt  }
0x41: {  	_ =	shalt  }
0x42: {  	_ =	shalt  }
0x43: {  	_ =	shalt  }
0x44: {  	_ =	shalt  }
0x45: {  	_ =	shalt  }
0x46: {  	_ =	shalt  }
0x47: {  	_ =	shalt  }
0x48: {  	_ =	shalt  }
0x49: {  	_ =	shalt  }
0x4a: {  	_ =	shalt  }
0x4b: {  	_ =	shalt  }
0x4c: {  	_ =	shalt  }
0x4d: {  	_ =	shalt  }
0x4e: {  	_ =	shalt  }
0x4f: {  	_ =	shalt  }
0x50: {  	_ =	shalt  }
0x51: {  	_ =	shalt  }
0x52: {  	_ =	shalt  }
0x53: {  	_ =	shalt  }
0x54: {  	_ =	shalt  }
0x55: {  	_ =	shalt  }
0x56: {  	_ =	shalt  }
0x57: {  	_ =	shalt  }
0x58: {  	_ =	shalt  }
0x59: {  	_ =	shalt  }
0x5a: {  	_ =	shalt  }
0x5b: {  	_ =	shalt  }
0x5c: {  	_ =	shalt  }
0x5d: {  	_ =	shalt  }
0x5e: {  	_ =	shalt  }
0x5f: {  	_ =	shalt  }
0x60: {  	_ =	shalt  }
0x61: {  	_ =	shalt  }
0x62: {  	_ =	shalt  }
0x63: {  	_ =	shalt  }
0x64: {  	_ =	shalt  }
0x65: {  	_ =	shalt  }
0x66: {  	_ =	shalt  }
0x67: {  	_ =	shalt  }
0x68: {  	_ =	shalt  }
0x69: {  	_ =	shalt  }
0x6a: {  	_ =	shalt  }
0x6b: {  	_ =	shalt  }
0x6c: {  	_ =	shalt  }
0x6d: {  	_ =	shalt  }
0x6e: {  	_ =	shalt  }
0x6f: {  	_ =	shalt  }
0x70: {  	_ =	shalt  }
0x71: {  	_ =	shalt  }
0x72: {  	_ =	shalt  }
0x73: {  	_ =	shalt  }
0x74: {  	_ =	shalt  }
0x75: {  	_ =	shalt  }
0x76: {  	_ =	shalt  }
0x77: {  	_ =	shalt  }
0x78: {  	_ =	shalt  }
0x79: {  	_ =	shalt  }
0x7a: {  	_ =	shalt  }
0x7b: {  	_ =	shalt  }
0x7c: {  	_ =	shalt  }
0x7d: {  	_ =	shalt  }
0x7e: {  	_ =	shalt  }
0x7f: {  	_ =	shalt  }
0x80: {  	_ =	shalt  }
0x81: {  	_ =	shalt  }
0x82: {  	_ =	shalt  }
0x83: {  	_ =	shalt  }
0x84: {  	_ =	shalt  }
0x85: {  	_ =	shalt  }
0x86: {  	_ =	shalt  }
0x87: {  	_ =	shalt  }
.Lfunc_end0:
.L_simem_size_0:
called_computation_lowered:
.L_overlay_start_0:
0x88: {  	s2 =	sld [smem:$0x3FD9]  }
0x89: {  	s3 =	sld [smem:$0x3FFE];
	_ =	sdelay $0x1  }
0x8a: {  	s1 =	srdreg.scid  }
0x8b: {  	s0 =	sand.u32 $0x1, s1  }
0x8c: {  	s18 =	sshll.u32 s0, $0xA;
	s2 =	sadd.s32 s3, s2  }
0x8d: {  	s2 =	sadd.s32 s2, s18  }
0x8e: {  	[smem:$0x3FC5] =	sst s2  }
0x8f: {  	_ = 	snop  }
0x90: {  	s2 =	sld [smem:$0x3FC9]  }
0x91: {  	s19 =	sld [smem:$0x3FC8]  }
0x92: {  	s4 =	sld [smem:$0x3FC7]  }
0x93: {  	s5 =	sld [smem:$0x3FD0];
	(tm) =	ssettm $0x1  }
0x94: {  	s6 =	sld [smem:$0x3FFB];
	_ =	sdelay $0x3  }
0x95: {  	_ =	strace s6  }
0x96: {  	s6 =	sld [smem:$0x3FFC];
	_ =	sdelay $0x3  }
0x97: {  	_ =	strace s6  }
0x98: {  	s6 =	sld [smem:$0x3FFD];
	_ =	sdelay $0x3  }
0x99: {  	_ =	strace s6  }
0x9a: {  	_ =	strace $0x8FFFFFFF  }
0x9b: {  	s20 =	sld [smem:$0x3FDB];
	_ =	sdelay $0x1  }
0x9c: {  	s7 =	simm.s32 $_scs_section_size  }
0x9d: {  	s8 =	simm.s32 $_size__tile_overlayer_lowered;
	s9 =	simm.s32 $_tile_overlayer_lowered  }
0x9e: {  	s23 =	simm.s32 $0x1BFF;
	s22 =	sshll.u32 s9, $0x1;
	s6 =	sadd.s32 s7, s20  }
0x9f: {  	s10 =	simm.s32 $0x0;
	s21 =	sshll.u32 s8, $0x1;
	s8 =	sadd.s32 s22, s6  }
0xa0: {  	[timem:s10], [sflag:s23] =	dma.local [hbm:s8], s21  }
0xa1: {  	_ =	swait.ge [sflag:s23], s21  }
0xa2: {  	s7 =	ssub.s32 $0x0, s21;
	[sflag:s23] =	ssyncset.done $0x0  }
0xa3: {  	[sflag:s23] =	ssyncadd.s32 s7;
	_ =	sdelay $0x1  }
0xa4: {  	s24 =	simm.s32 $0x1B8B  }
0xa5: {  	_ =	swait.ge [sflag:s24], $0x1  }
0xa6: {  	[sflag:s24] =	ssyncset.done $0x0  }
0xa7: {  	s25 =	simm.s32 $0x1B8E;
	[sflag:s24] =	ssyncadd.s32 $0xFFFFFFFF  }
0xa8: {  	s26 =	simm.s32 $execute0_lowered;
	[smem:$0x3FD2] =	sst s25  }
0xa9: {  	s7 =	sshll.u32 s26, $0x1;
	_ =	strace $0x80000046;
	[dreg:$0x1] =	wrdreg $0xFFFFFFFF  }
0xaa: {  	s28 =	simm.s32 $_size_execute0_lowered;
	s6 =	sadd.s32 s6, s7;
	[dreg:$0x0] =	wrdreg $0x0  }
0xab: {  	s7 =	sshll.u32 s28, $0x1;
	[dreg:$0x2] =	wrdreg s6  }
0xac: {  	[dreg:$0x3] =	wrdreg s7  }
0xad: {  	[dreg:$0x4] =	wrdreg $0xC0  }
0xae: {  	_ =	task [dreg:s10], $0x5FFFF  }
0xaf: {  	[dreg:$0x1] =	wrdreg $0xFFFFFFFF  }
0xb0: {  	[dreg:$0x0] =	wrdreg $0x60  }
0xb1: {  	[dreg:$0x2] =	wrdreg s2  }
0xb2: {  	[dreg:$0x3] =	wrdreg s19  }
0xb3: {  	[dreg:$0x4] =	wrdreg s4  }
0xb4: {  	[dreg:$0x5] =	wrdreg s5  }
0xb5: {  	[dreg:$0x6] =	wrdreg $0x9  }
0xb6: {  	_ =	task.clear_ibuf [dreg:s10], $0x7FFFF;
	_ =	strace $0x90000046  }
0xb7: {  	s29 =	simm.s32 $0x9;
	_ =	strace $0x80000048  }
0xb8: {  	_ =	swait.ge [sflag:s29], $0x1  }
0xb9: {  	[sflag:s29] =	ssyncadd.s32 $0xFFFFFFFF  }
0xba: {  	_ =	strace $0x90000048  }
0xbb: {  	_ =	sfence  }
0xbc: {  	s30 =	sld [smem:$0x0];
	_ =	sdelay $0x2  }
0xbd: {  	s31 =	sshll.u32 s1, $0xD;
	s1 =	sshrl.u32 s1, $0x2  }
0xbe: {  	s3 =	sand.u32 $0x4000, s31;
	s1 =	sadd.s32 s1, s30  }
0xbf: {  	s0 =	sor.u32 s3, s0;
	s1 =	sshll.u32 s1, $0x11  }
0xc0: {  	s0 =	sor.u32 s1, s0  }
0xc1: {  	s0 =	sadd.s32 $0x8F2B, s0  }
0xc2: {  	[sflag:s0] =	ssyncadd.remote.s32 $0x1  }
0xc3: {  	_ =	sfence.sel $0xFFFF  }
0xc4: {  	[dreg:$0x0] =	wrdreg $0xFFFFFFFF;
	(pc) =	sbr.abs _section_cstart, $3  }
0xc5: {  	[dreg:$0x1] =	wrdreg $0xFFFFFFFF  }
0xc6: {  	_ =	task.clear_ibuf [dreg:s10], $0x2FFFF;
	_ =	strace $0x9FFFFFFF  }
0xc7: {  	(tm) =	ssettm $0x7FFFFFFF  }
tec
execute0_lowered:
.L_overlay_start_1:
0x0: {  	(tag) =	ssettag $0x1  }
0x1: {  	s1 =	rddreg [dreg:$0x0];
	s0 =	srdreg.scid  }
0x2: {  	s2 =	stileid.u32;
	s3 =	rddreg [dreg:$0x3];
	s5 =	simm.s32 $0x0  }
0x3: {  	v0 =	vimm.s32 $0x3210FEDC;
	s15 =	simm.s32 $0x3;
	s16 =	simm.s32 $0x100;
	s17 =	simm.s32 $0x400  }
0x4: {  	v2 =	vimm.s32 $0xFEDCBA98;
	s18 =	simm.s32 $0x800;
	s19 =	simm.s32 $0x200;
	s20 =	simm.s32 $0x4200  }
0x5: {  	v1 =	vimm.s32 $0xBA987654;
	v3 =	vimm.s32 $0x76543210;
	s21 =	simm.s32 $0x8200;
	s22 =	simm.s32 $0xC200;
	s23 =	simm.s32 $0x1;
	v2 =	vunpack.c.l.s4.s8 v2  }
0x6: {  	s24 =	simm.s32 $0x10200;
	s0 =	sand.u32 $0x1, s0;
	s6 =	sshll.u32 s2, $0x1;
	v0 =	vunpack.c.l.s4.s8 v0;
	v1 =	vunpack.c.l.s4.s8 v1;
	v3 =	vunpack.c.l.s4.s8 v3  }
0x7: {  	v62 =	vlaneseq.u32;
	s25 =	simm.s32 $0x2;
	s26 =	simm.s32 $0x0;
	s9 =	sor.u32 s0, s6;
	v2 =	vunpack.c.0.s8.s32 v2  }
0x8: {  	[smem:$0x7FF] =	sst s5;
	s0 =	ssub.s32 $0x2, s0;
	s12 =	smul.u32 $0x50000, s9;
	v0 =	vunpack.c.0.s8.s32 v0;
	v1 =	vunpack.c.0.s8.s32 v1;
	v3 =	vunpack.c.0.s8.s32 v3  }
.Ltmp0:
0x9: {  	v18 =	vmul.u32 $0x80, v62;
	_ =	strace $0x80000047;
	s31 =	sshrl.u32 s0, $0x1;
	v63 =	vand.u32 $0xF, v2;
	(pc) =	sbr.rel .LBB2_1-.Ltmp0, $4  }
0xa: {  	s6 =	sadd.s32 $0x80, s1;
	s13 =	smul.u32 $0x280, s9;
	s0 =	ssub.s32 s0, s31;
	v4 =	vcombine.low v1, v0;
	v11 =	vcombine.low v63, v3  }
0xb: {  	[tilespmem:$0x1FFD0] =	vst v18;
	s8 =	sshrl.u32 s12, $0x3;
	s11 =	sadd.s32 $0x10000, s12;
	s12 =	sadd.s32 $0x18000, s12  }
0xc: {  	s13 =	sadd.s32 s3, s13;
	s14 =	smax.u32 s0, $0x1;
	s7 =	sadd.s32 s1, s8;
	v12 =	vand.u32 $0xF, v4;
	[tilespmem:$0x1FFE0] =	vst v11  }
0xd: {  	s8 =	sadd.s32 s8, s6;
	s9 =	sadd.s32 $0x1000, s7;
	s10 =	sadd.s32 $0x1080, s7;
	[tilespmem:$0x1FFF0] =	vst v12  }
.LBB2_8:
0xe: {  	s26 =	sadd.s32 $0x1, s26  }
0xf: {  	p0 =	sne.s32 s26, s14  }
.Ltmp1:
0x10: {  	_ = 	snop;
	(pc) =	sbr.rel @!p0 .LBB2_9-.Ltmp1, $4  }
0x11: {  	[hbm4b:s13+s5] =	stream.linear.scatter [tilespmem:s24], [sflag:$0x3], $0x1400, $0x38;
	[tilespmem:$0x11600] =	vst v63  }
0x12: {  	_ =	swait.ge [sflag:s15], $0x1400  }
0x13: {  	[sflag:s15] =	ssyncset.done $0x0  }
0x14: {  	v18 =	vld [tilespmem:$0x1FFD0];
	[sflag:s15] =	ssyncadd.s32 $0xFFFFEC00  }
.LBB2_1:
0x15: {  	s0 =	rddreg [dreg:$0x1]  }
0x16: {  	[tilespmem:s5], [sflag:$0x3] =	stream.linear.gather [hbm4b:s0+s5], $0x100, $0x38;
	[tilespmem:$0x11600] =	vst v63  }
0x17: {  	_ =	swait.ge [sflag:s15], $0x100  }
0x18: {  	[sflag:s15] =	ssyncset.done $0x0  }
0x19: {  	[sflag:s15] =	ssyncadd.s32 $0xFFFFFF00  }
0x1a: {  	s31 =	rddreg [dreg:$0x2]  }
0x1b: {  	[tilespmem:s16], [sflag:$0x3] =	stream.linear.gather [hbm4b:s31+s5], $0x100, $0x38;
	[tilespmem:$0x11600] =	vst v63  }
0x1c: {  	_ =	swait.ge [sflag:s15], $0x100  }
0x1d: {  	[sflag:s15] =	ssyncset.done $0x0  }
0x1e: {  	[sflag:s15] =	ssyncadd.s32 $0xFFFFFF00  }
0x1f: {  	v58 =	vld [tilespmem:$0x100]  }
0x20: {  	v59 =	vld [tilespmem:$0x110]  }
0x21: {  	v60 =	vld [tilespmem:$0x120]  }
0x22: {  	v16 =	vld [tilespmem:$0x130]  }
0x23: {  	v17 =	vld [tilespmem:$0x140]  }
0x24: {  	v0 =	vld [tilespmem:$0x150]  }
0x25: {  	v54 =	vld [tilespmem:$0x160]  }
0x26: {  	v55 =	vld [tilespmem:$0x170]  }
0x27: {  	v56 =	vld [tilespmem:$0x180]  }
0x28: {  	v57 =	vld [tilespmem:$0x190]  }
0x29: {  	v61 =	vld [tilespmem:$0x1A0]  }
0x2a: {  	v62 =	vld [tilespmem:$0x1B0]  }
0x2b: {  	v63 =	vld [tilespmem:$0x1C0]  }
0x2c: {  	v13 =	vld [tilespmem:$0x1D0]  }
0x2d: {  	v14 =	vld [tilespmem:$0x1E0]  }
0x2e: {  	v20 =	vld [tilespmem:$0x0]  }
0x2f: {  	v22 =	vld [tilespmem:$0x10]  }
0x30: {  	v24 =	vld [tilespmem:$0x20]  }
0x31: {  	v26 =	vld [tilespmem:$0x30]  }
0x32: {  	v28 =	vld [tilespmem:$0x40]  }
0x33: {  	v30 =	vld [tilespmem:$0x50]  }
0x34: {  	v32 =	vld [tilespmem:$0x60]  }
0x35: {  	v34 =	vld [tilespmem:$0x70]  }
0x36: {  	v36 =	vld [tilespmem:$0x80]  }
0x37: {  	v38 =	vld [tilespmem:$0x90]  }
0x38: {  	v40 =	vld [tilespmem:$0xA0]  }
0x39: {  	v42 =	vld [tilespmem:$0xB0]  }
0x3a: {  	v44 =	vld [tilespmem:$0xC0]  }
0x3b: {  	v46 =	vld [tilespmem:$0xD0]  }
0x3c: {  	v48 =	vld [tilespmem:$0xE0]  }
0x3d: {  	v50 =	vld [tilespmem:$0xF0]  }
0x3e: {  	[tilespmem:$0x1FDA0] =	vst v0;
	v0 =	vld [tilespmem:$0x1F0];
	[tilespmem:s19], [sflag:$0x1] =	stream.strided.gather [hbm4b:s7+s17], $0x4000, s18, s17, $0x38  }
0x3f: {  	[tilespmem:$0x1FF10] =	vst v58  }
0x40: {  	[tilespmem:$0x1FF20] =	vst v59  }
0x41: {  	[tilespmem:$0x1FF30] =	vst v60  }
0x42: {  	[tilespmem:$0x1FF40] =	vst v61  }
0x43: {  	[tilespmem:$0x1FF50] =	vst v62  }
0x44: {  	v5 =	vand.u32 $0xFFFFFF80, v24;
	[tilespmem:$0x1FF60] =	vst v63  }
0x45: {  	v6 =	vand.u32 $0x7F, v24;
	[tilespmem:$0x1FF70] =	vst v5  }
0x46: {  	v7 =	vand.u32 $0xFFFFFF80, v26;
	[tilespmem:$0x1FF80] =	vst v6  }
0x47: {  	v8 =	vand.u32 $0x7F, v26;
	[tilespmem:$0x1FF90] =	vst v7  }
0x48: {  	v9 =	vand.u32 $0xFFFFFF80, v28;
	[tilespmem:$0x1FFA0] =	vst v8  }
0x49: {  	[tilespmem:$0x1FFB0] =	vst v9  }
0x4a: {  	v10 =	vand.u32 $0x7F, v28;
	[tilespmem:s20], [sflag:$0x1] =	stream.strided.gather [hbm4b:s8+s17], $0x4000, s18, s17, $0x38;
	[tilespmem:$0x11600] =	vst v63  }
0x4b: {  	[tilespmem:$0x1FFC0] =	vst v10  }
0x4c: {  	[tilespmem:s21], [sflag:$0x2] =	stream.strided.gather [hbm4b:s9+s17], $0x4000, s18, s17, $0x38;
	[tilespmem:$0x11600] =	vst v63  }
0x4d: {  	[tilespmem:$0x1FDB0] =	vst v0;
	v0 =	vand.u32 $0x7F, v30  }
0x4e: {  	[tilespmem:$0x1FDC0] =	vst v0  }
0x4f: {  	v0 =	vand.u32 $0xFFFFFF80, v32;
	[tilespmem:s22], [sflag:$0x2] =	stream.strided.gather [hbm4b:s10+s17], $0x4000, s18, s17, $0x38;
	[tilespmem:$0x11600] =	vst v63  }
0x50: {  	[tilespmem:$0x1FDD0] =	vst v0;
	v0 =	vand.u32 $0x7F, v32  }
0x51: {  	[tilespmem:$0x1FDE0] =	vst v0;
	v0 =	vand.u32 $0xFFFFFF80, v34  }
0x52: {  	[tilespmem:$0x1FDF0] =	vst v0;
	v0 =	vand.u32 $0x7F, v34  }
0x53: {  	[tilespmem:$0x1FE00] =	vst v0;
	v0 =	vand.u32 $0xFFFFFF80, v36  }
0x54: {  	[tilespmem:$0x1FE10] =	vst v0;
	v0 =	vand.u32 $0x7F, v36  }
0x55: {  	[tilespmem:$0x1FE20] =	vst v0;
	v0 =	vand.u32 $0xFFFFFF80, v38  }
0x56: {  	[tilespmem:$0x1FE30] =	vst v0;
	v0 =	vand.u32 $0x7F, v38  }
0x57: {  	[tilespmem:$0x1FE40] =	vst v0;
	v0 =	vand.u32 $0xFFFFFF80, v40  }
0x58: {  	[tilespmem:$0x1FE50] =	vst v0;
	v0 =	vand.u32 $0x7F, v40  }
0x59: {  	[tilespmem:$0x1FE60] =	vst v0;
	v0 =	vand.u32 $0xFFFFFF80, v42  }
0x5a: {  	[tilespmem:$0x1FE70] =	vst v0;
	v0 =	vand.u32 $0x7F, v42  }
0x5b: {  	[tilespmem:$0x1FE80] =	vst v0;
	v0 =	vand.u32 $0xFFFFFF80, v44  }
0x5c: {  	[tilespmem:$0x1FE90] =	vst v0;
	v0 =	vand.u32 $0x7F, v44  }
0x5d: {  	[tilespmem:$0x1FEA0] =	vst v0;
	v0 =	vand.u32 $0xFFFFFF80, v46  }
0x5e: {  	[tilespmem:$0x1FEB0] =	vst v0;
	v0 =	vand.u32 $0x7F, v46  }
0x5f: {  	[tilespmem:$0x1FEC0] =	vst v0;
	v0 =	vand.u32 $0xFFFFFF80, v48  }
0x60: {  	[tilespmem:$0x1FED0] =	vst v0;
	v0 =	vand.u32 $0x7F, v48  }
0x61: {  	[tilespmem:$0x1FEE0] =	vst v0;
	v0 =	vand.u32 $0xFFFFFF80, v50  }
0x62: {  	v1 =	vand.u32 $0xFFFFFF80, v20;
	v2 =	vand.u32 $0x7F, v20;
	[tilespmem:$0x1FEF0] =	vst v0;
	v0 =	vand.u32 $0x7F, v50  }
0x63: {  	s28 =	simm.s32 $0x0;
	v3 =	vand.u32 $0xFFFFFF80, v22;
	v4 =	vand.u32 $0x7F, v22;
	v15 =	vand.u32 $0xFFFFFF80, v30;
	[tilespmem:$0x1FF00] =	vst v0  }
.LBB2_2:
0x64: {  	_ =	swait.ge [sflag:s23], $0x4000  }
0x65: {  	s29 =	sshll.u32 s28, $0x3;
	[sflag:s23] =	ssyncset.done $0x0  }
0x66: {  	v51 =	vmov s29;
	[sflag:s23] =	ssyncadd.s32 $0xFFFFC000  }
0x67: {  	v51 =	vshll.u32 v51, $0x7;
	_ =	swait.ge [sflag:s23], $0x4000  }
0x68: {  	v0 =	vadd.s32 v18, v51;
	v51 =	vld [tilespmem:$0x1FDC0]  }
0x69: {  	v19 =	vld [tilespmem:$0x1FE40]  }
0x6a: {  	v21 =	vld [tilespmem:$0x1FE60]  }
0x6b: {  	v29 =	vld [tilespmem:$0x1FE80]  }
0x6c: {  	v38 =	vld [tilespmem:$0x1FEA0]  }
0x6d: {  	v40 =	vld [tilespmem:$0x1FEC0]  }
0x6e: {  	[sflag:s23] =	ssyncset.done $0x0;
	v41 =	vld [tilespmem:$0x1FEE0]  }
0x6f: {  	s30 =	simm.s32 $0x0;
	[tilespmem:$0x1FD90] =	vst v0;
	v42 =	vld [tilespmem:$0x1FF00];
	[sflag:s23] =	ssyncadd.s32 $0xFFFFC000  }
.LBB2_3:
0x70: {  	v46 =	vld [tilespmem:$0x1FDD0]  }
0x71: {  	v48 =	vld [tilespmem:$0x1FDF0]  }
0x72: {  	v0 =	vld [tilespmem:$0x1FDE0]  }
0x73: {  	v50 =	vld [tilespmem:$0x1FE10]  }
0x74: {  	v20 =	vmov v19;
	v19 =	vld [tilespmem:$0x1FE30]  }
0x75: {  	v28 =	vmov v21;
	v21 =	vld [tilespmem:$0x1FE50]  }
0x76: {  	v30 =	vmov v29;
	v29 =	vld [tilespmem:$0x1FE70]  }
0x77: {  	v47 =	vmov v40;
	v40 =	vld [tilespmem:$0x1FEB0]  }
0x78: {  	v49 =	vmov v41;
	v41 =	vld [tilespmem:$0x1FED0]  }
0x79: {  	v52 =	vadd.s32 s30, v1;
	v33 =	vmov v42;
	v42 =	vld [tilespmem:$0x1FEF0]  }
0x7a: {  	v53 =	vadd.s32 s30, v3;
	v11 =	vld [tilespmem:$0x1FF10];
	v52 =	vshll.u32 v52, $0x7  }
0x7b: {  	v39 =	vadd.s32 s30, v15;
	v18 =	vld [tilespmem:$0x1FDB0];
	v53 =	vshll.u32 v53, $0x7;
	v52 =	vor.u32 v2, v52  }
0x7c: {  	v27 =	vmov v57;
	v12 =	vld [tilespmem:$0x1FE20];
	v57 =	vshll.u32 v39, $0x7;
	v53 =	vor.u32 v4, v53  }
0x7d: {  	v23 =	vld [tilespmem:$0x1FF10];
	v57 =	vor.u32 v51, v57;
	v35 =	vadd.s32 s30, v5;
	v36 =	vadd.s32 s30, v7  }
0x7e: {  	v24 =	vmovc v54;
	v39 =	vmovc v38;
	v38 =	vld [tilespmem:$0x1FE90];
	v37 =	vadd.s32 s30, v9;
	v54 =	vshll.u32 v35, $0x7;
	v43 =	vadd.s32 s30, v40  }
0x7f: {  	v25 =	vmovc v55;
	v45 =	vmovc v51;
	v55 =	vshll.u32 v36, $0x7;
	v54 =	vor.u32 v6, v54;
	v51 =	vshll.u32 v43, $0x7;
	v43 =	vld [tilespmem:$0x1FDA0]  }
0x80: {  	v26 =	vmovc v56;
	v56 =	vshll.u32 v37, $0x7;
	v58 =	vadd.s32 s30, v46;
	v55 =	vor.u32 v8, v55;
	v52 =	vld.idx.msk [tilespmem:v52+s19+$0x0], $0xffff  }
0x81: {  	v56 =	vor.u32 v10, v56;
	v58 =	vshll.u32 v58, $0x7;
	v53 =	vld.idx.msk [tilespmem:v53+s19+$0x0], $0xffff  }
0x82: {  	v58 =	vor.u32 v0, v58;
	v0 =	vld [tilespmem:$0x1FE00]  }
0x83: {  	v61 =	vadd.s32 s30, v19;
	v57 =	vld.idx.msk [tilespmem:v57+s19+$0x0], $0xffff  }
0x84: {  	v59 =	vadd.s32 s30, v48;
	v62 =	vadd.s32 s30, v21;
	v61 =	vshll.u32 v61, $0x7;
	v54 =	vld.idx.msk [tilespmem:v54+s19+$0x0], $0xffff  }
0x85: {  	v63 =	vadd.s32 s30, v29;
	v62 =	vshll.u32 v62, $0x7;
	v61 =	vor.u32 v20, v61;
	v55 =	vld.idx.msk [tilespmem:v55+s19+$0x0], $0xffff  }
0x86: {  	v59 =	vshll.u32 v59, $0x7;
	v63 =	vshll.u32 v63, $0x7;
	v62 =	vor.u32 v28, v62;
	v56 =	vld.idx.msk [tilespmem:v56+s19+$0x0], $0xffff  }
0x87: {  	v63 =	vor.u32 v30, v63;
	v59 =	vor.u32 v0, v59;
	v0 =	vld [tilespmem:$0x1FE20]  }
0x88: {  	v34 =	vmovc v1;
	s31 =	sadd.s32 $0x1, s30;
	v60 =	vadd.s32 s30, v50;
	v1 =	vadd.s32 s30, v41;
	v51 =	vor.u32 v47, v51;
	v58 =	vld.idx.msk [tilespmem:v58+s19+$0x0], $0xffff  }
0x89: {  	v1 =	vshll.u32 v1, $0x7;
	v36 =	vmovc v3;
	v3 =	vadd.s32 s31, v34;
	v52 =	vmul.f32 v52, v11;
	v11 =	vld [tilespmem:$0x1FF20]  }
0x8a: {  	v35 =	vmovc v2;
	v2 =	vadd.s32 s30, v42;
	v1 =	vor.u32 v49, v1;
	v3 =	vshll.u32 v3, $0x7;
	v61 =	vld.idx.msk [tilespmem:v61+s19+$0x0], $0xffff  }
0x8b: {  	v37 =	vmovc v4;
	v4 =	vadd.s32 s31, v5;
	v2 =	vshll.u32 v2, $0x7;
	v3 =	vor.u32 v35, v3;
	v62 =	vld.idx.msk [tilespmem:v62+s19+$0x0], $0xffff  }
0x8c: {  	v60 =	vshll.u32 v60, $0x7;
	v4 =	vshll.u32 v4, $0x7;
	v2 =	vor.u32 v33, v2;
	v63 =	vld.idx.msk [tilespmem:v63+s19+$0x0], $0xffff  }
0x8d: {  	v5 =	vadd.s32 s31, v7;
	v7 =	vadd.s32 s31, v15;
	v4 =	vor.u32 v6, v4;
	v51 =	vld.idx.msk [tilespmem:v51+s19+$0x0], $0xffff  }
0x8e: {  	v44 =	vadd.s32 s31, v36;
	v5 =	vshll.u32 v5, $0x7;
	v53 =	vmul.f32 v53, v11;
	v11 =	vld [tilespmem:$0x1FF30]  }
0x8f: {  	v7 =	vshll.u32 v7, $0x7;
	v6 =	vadd.s32 s31, v9;
	v5 =	vor.u32 v8, v5;
	v1 =	vld.idx.msk [tilespmem:v1+s19+$0x0], $0xffff  }
0x90: {  	v8 =	vadd.s32 s31, v46;
	v3 =	vld.idx.msk [tilespmem:v3+s19+$0x0], $0xffff;
	v52 =	vmax.f32 v52, v53;
	v53 =	vshll.u32 v44, $0x7  }
0x91: {  	v7 =	vor.u32 v45, v7;
	v6 =	vshll.u32 v6, $0x7;
	v2 =	vld.idx.msk [tilespmem:v2+s19+$0x0], $0xffff;
	v53 =	vor.u32 v37, v53  }
0x92: {  	v6 =	vor.u32 v10, v6;
	v10 =	vadd.s32 s31, v50;
	v4 =	vld.idx.msk [tilespmem:v4+s19+$0x0], $0xffff;
	v60 =	vor.u32 v0, v60  }
0x93: {  	v9 =	vadd.s32 s31, v48;
	v10 =	vshll.u32 v10, $0x7;
	v54 =	vmul.f32 v54, v11;
	v11 =	vld [tilespmem:$0x1FF40]  }
0x94: {  	v8 =	vshll.u32 v8, $0x7;
	v9 =	vshll.u32 v9, $0x7;
	v10 =	vor.u32 v12, v10;
	v59 =	vld.idx.msk [tilespmem:v59+s19+$0x0], $0xffff  }
0x95: {  	v12 =	vadd.s32 s31, v21;
	v0 =	vadd.s32 s30, v38;
	v3 =	vmul.f32 v3, v23;
	v23 =	vld [tilespmem:$0x1FF20]  }
0x96: {  	v57 =	vmul.f32 v57, v43;
	v12 =	vshll.u32 v12, $0x7;
	v0 =	vshll.u32 v0, $0x7;
	v53 =	vld.idx.msk [tilespmem:v53+s19+$0x0], $0xffff  }
0x97: {  	v55 =	vmul.f32 v55, v16;
	v56 =	vmul.f32 v56, v17;
	v0 =	vor.u32 v39, v0;
	v60 =	vld.idx.msk [tilespmem:v60+s19+$0x0], $0xffff  }
0x98: {  	v12 =	vor.u32 v28, v12;
	v58 =	vmul.f32 v58, v24;
	v62 =	vmul.f32 v62, v11;
	v11 =	vld [tilespmem:$0x1FF50]  }
0x99: {  	v22 =	vmovc v16;
	v5 =	vld.idx.msk [tilespmem:v5+s19+$0x0], $0xffff;
	v16 =	vadd.s32 s31, v41;
	v61 =	vmul.f32 v61, v27;
	v51 =	vmul.f32 v51, v13  }
0x9a: {  	v31 =	vmovc v13;
	v32 =	vmovc v14;
	v7 =	vld.idx.msk [tilespmem:v7+s19+$0x0], $0xffff;
	v1 =	vmul.f32 v1, v14;
	v13 =	vadd.s32 s31, v29;
	v14 =	vadd.s32 s31, v38  }
0x9b: {  	v16 =	vshll.u32 v16, $0x7;
	v13 =	vshll.u32 v13, $0x7;
	v53 =	vmul.f32 v53, v23;
	v23 =	vld [tilespmem:$0x1FF70]  }
0x9c: {  	v14 =	vshll.u32 v14, $0x7;
	v16 =	vor.u32 v49, v16;
	v59 =	vmul.f32 v59, v25;
	v0 =	vld.idx.msk [tilespmem:v0+s19+$0x0], $0xffff  }
0x9d: {  	v13 =	vor.u32 v30, v13;
	v60 =	vmul.f32 v60, v26;
	v63 =	vmul.f32 v63, v11;
	v11 =	vld [tilespmem:$0x1FF60]  }
0x9e: {  	v6 =	vld.idx.msk [tilespmem:v6+s19+$0x0], $0xffff;
	v44 =	vmovc v15;
	v15 =	vadd.s32 s31, v40;
	v14 =	vor.u32 v39, v14;
	v54 =	vmax.f32 v54, v55  }
0x9f: {  	s3 =	sadd.s32 $0x2, s30;
	v10 =	vld.idx.msk [tilespmem:v10+s19+$0x0], $0xffff;
	v55 =	vmax.f32 v56, v57;
	v56 =	vmax.f32 v58, v59;
	v60 =	vmax.f32 v60, v61  }
0xa0: {  	v61 =	vmax.f32 v62, v63;
	v62 =	vmax.f32 v55, v56;
	v56 =	vadd.s32 s3, v23;
	v23 =	vld [tilespmem:$0x1FF90]  }
0xa1: {  	v2 =	vmul.f32 v2, v18;
	v15 =	vshll.u32 v15, $0x7;
	v12 =	vld.idx.msk [tilespmem:v12+s19+$0x0], $0xffff;
	v59 =	vadd.s32 s3, v44  }
0xa2: {  	v15 =	vor.u32 v47, v15;
	v55 =	vshll.u32 v59, $0x7;
	v0 =	vmul.f32 v0, v11;
	v11 =	vld [tilespmem:$0x1FDE0]  }
0xa3: {  	v1 =	vmax.f32 v1, v2;
	v13 =	vld.idx.msk [tilespmem:v13+s19+$0x0], $0xffff;
	v2 =	vmax.f32 v52, v54;
	v55 =	vor.u32 v45, v55  }
0xa4: {  	v14 =	vld.idx.msk [tilespmem:v14+s19+$0x0], $0xffff;
	v3 =	vmax.f32 v3, v53;
	v63 =	vmax.f32 v60, v61;
	v0 =	vmax.f32 v0, v51  }
0xa5: {  	v2 =	vmax.f32 v2, v62;
	v0 =	vmax.f32 v0, v1;
	v57 =	vadd.s32 s3, v23;
	v23 =	vld [tilespmem:$0x1FF80]  }
0xa6: {  	v61 =	vadd.s32 s3, v48;
	v51 =	vshll.u32 v56, $0x7;
	v1 =	vld [tilespmem:$0x1FF30];
	v0 =	vmax.f32 v63, v0  }
0xa7: {  	v53 =	vshll.u32 v57, $0x7;
	v63 =	vadd.s32 s3, v19;
	v8 =	vor.u32 v11, v8;
	v11 =	vld [tilespmem:$0x1FE00]  }
0xa8: {  	v55 =	vld.idx.msk [tilespmem:v55+s19+$0x0], $0xffff;
	v57 =	vshll.u32 v61, $0x7;
	v61 =	vadd.s32 s3, v29;
	v59 =	vshll.u32 v63, $0x7  }
0xa9: {  	v52 =	vmax.f32 v2, v0;
	v0 =	vmul.f32 v10, v26;
	v10 =	vld [tilespmem:$0x1FF40];
	v59 =	vor.u32 v20, v59  }
0xaa: {  	v7 =	vmul.f32 v7, v43;
	v61 =	vshll.u32 v61, $0x7;
	v51 =	vor.u32 v23, v51;
	v23 =	vld [tilespmem:$0x1FFB0]  }
0xab: {  	v61 =	vor.u32 v30, v61;
	v1 =	vmul.f32 v4, v1;
	v4 =	vmul.f32 v5, v22;
	v5 =	vld.idx.msk [tilespmem:v15+s19+$0x0], $0xffff  }
0xac: {  	v6 =	vmul.f32 v6, v17;
	v15 =	vld.idx.msk [tilespmem:v16+s19+$0x0], $0xffff;
	v9 =	vor.u32 v11, v9;
	v11 =	vadd.s32 s31, v19  }
0xad: {  	v8 =	vld.idx.msk [tilespmem:v8+s19+$0x0], $0xffff;
	v11 =	vshll.u32 v11, $0x7  }
0xae: {  	v1 =	vmax.f32 v1, v4;
	v4 =	vmax.f32 v6, v7;
	v6 =	vld.idx.msk [tilespmem:v59+s19+$0x0], $0xffff;
	v11 =	vor.u32 v20, v11  }
0xaf: {  	v58 =	vadd.s32 s3, v23;
	v23 =	vld [tilespmem:$0x1FFA0]  }
0xb0: {  	v16 =	vadd.s32 s3, v36;
	v1 =	vmax.f32 v3, v1;
	v3 =	vld.idx.msk [tilespmem:v61+s19+$0x0], $0xffff  }
0xb1: {  	v16 =	vshll.u32 v16, $0x7;
	v59 =	vld [tilespmem:$0x1FFC0]  }
0xb2: {  	v60 =	vadd.s32 s3, v46;
	v16 =	vor.u32 v37, v16;
	v9 =	vld.idx.msk [tilespmem:v9+s19+$0x0], $0xffff  }
0xb3: {  	v56 =	vshll.u32 v60, $0x7;
	v10 =	vmul.f32 v12, v10;
	v12 =	vadd.s32 s31, v42;
	v11 =	vld.idx.msk [tilespmem:v11+s19+$0x0], $0xffff  }
0xb4: {  	v60 =	vadd.s32 s3, v21;
	v12 =	vshll.u32 v12, $0x7;
	v53 =	vor.u32 v23, v53;
	v23 =	vld [tilespmem:$0x1FFC0]  }
0xb5: {  	v60 =	vshll.u32 v60, $0x7;
	v61 =	vld [tilespmem:$0x1FDE0];
	v12 =	vor.u32 v33, v12  }
0xb6: {  	v62 =	vadd.s32 s3, v50;
	v60 =	vor.u32 v28, v60;
	v51 =	vld.idx.msk [tilespmem:v51+s19+$0x0], $0xffff  }
0xb7: {  	v54 =	vshll.u32 v58, $0x7;
	v58 =	vshll.u32 v62, $0x7;
	v16 =	vld.idx.msk [tilespmem:v16+s19+$0x0], $0xffff  }
0xb8: {  	v62 =	vadd.s32 s3, v38;
	v8 =	vmul.f32 v8, v24;
	v2 =	vmul.f32 v11, v27;
	v11 =	vld [tilespmem:$0x1FF50]  }
0xb9: {  	v62 =	vshll.u32 v62, $0x7;
	v9 =	vmul.f32 v9, v25;
	v54 =	vor.u32 v23, v54;
	v23 =	vld [tilespmem:$0x1FDE0]  }
0xba: {  	v62 =	vor.u32 v39, v62;
	v12 =	vld.idx.msk [tilespmem:v12+s19+$0x0], $0xffff  }
0xbb: {  	v8 =	vmax.f32 v8, v9;
	v9 =	vld.idx.msk [tilespmem:v60+s19+$0x0], $0xffff  }
0xbc: {  	v53 =	vld.idx.msk [tilespmem:v53+s19+$0x0], $0xffff  }
0xbd: {  	v11 =	vmul.f32 v13, v11;
	v13 =	vld [tilespmem:$0x1FF60]  }
0xbe: {  	v63 =	vadd.s32 s3, v40;
	v56 =	vor.u32 v23, v56;
	v23 =	vld [tilespmem:$0x1FE00]  }
0xbf: {  	v63 =	vshll.u32 v63, $0x7;
	v4 =	vmax.f32 v4, v8;
	v8 =	vld.idx.msk [tilespmem:v62+s19+$0x0], $0xffff  }
0xc0: {  	v63 =	vor.u32 v47, v63;
	v0 =	vmax.f32 v0, v2;
	v54 =	vld.idx.msk [tilespmem:v54+s19+$0x0], $0xffff;
	v2 =	vmax.f32 v10, v11  }
0xc1: {  	v5 =	vmul.f32 v5, v31;
	v12 =	vmul.f32 v12, v18;
	v11 =	vld [tilespmem:$0x1FF30];
	v0 =	vmax.f32 v0, v2  }
0xc2: {  	v2 =	vld [tilespmem:$0x1FF10];
	v13 =	vmul.f32 v14, v13;
	v14 =	vmul.f32 v15, v32;
	v15 =	vadd.s32 s3, v34  }
0xc3: {  	v15 =	vshll.u32 v15, $0x7;
	v57 =	vor.u32 v23, v57;
	v23 =	vld [tilespmem:$0x1FE20]  }
0xc4: {  	v56 =	vld.idx.msk [tilespmem:v56+s19+$0x0], $0xffff;
	v15 =	vor.u32 v35, v15;
	v5 =	vmax.f32 v13, v5;
	v10 =	vmax.f32 v14, v12  }
0xc5: {  	v5 =	vmax.f32 v5, v10;
	v10 =	vld [tilespmem:$0x1FF20]  }
0xc6: {  	s0 =	sadd.s32 $0x3, s30;
	v1 =	vmax.f32 v1, v4;
	v4 =	vmul.f32 v53, v22;
	v11 =	vmul.f32 v51, v11;
	v12 =	vld.idx.msk [tilespmem:v63+s19+$0x0], $0xffff  }
0xc7: {  	v60 =	vadd.s32 s0, v46;
	v63 =	vld [tilespmem:$0x1FE00];
	v0 =	vmax.f32 v0, v5  }
0xc8: {  	v5 =	vmul.f32 v55, v43;
	v4 =	vmax.f32 v11, v4;
	v11 =	vadd.s32 s0, v36;
	v57 =	vld.idx.msk [tilespmem:v57+s19+$0x0], $0xffff  }
0xc9: {  	v11 =	vshll.u32 v11, $0x7;
	v58 =	vor.u32 v23, v58;
	v23 =	vmovc v17;
	v17 =	vadd.s32 s3, v41;
	v15 =	vld.idx.msk [tilespmem:v15+s19+$0x0], $0xffff  }
0xca: {  	v11 =	vor.u32 v37, v11;
	v17 =	vshll.u32 v17, $0x7;
	v10 =	vmul.f32 v16, v10;
	v16 =	vld [tilespmem:$0x1FF50]  }
0xcb: {  	v13 =	vmul.f32 v54, v23;
	v54 =	vshll.u32 v60, $0x7;
	v7 =	vor.u32 v49, v17;
	v17 =	vld [tilespmem:$0x1FF80]  }
0xcc: {  	v62 =	vadd.s32 s0, v48;
	v54 =	vor.u32 v61, v54;
	v61 =	vld [tilespmem:$0x1FE20]  }
0xcd: {  	v55 =	vshll.u32 v62, $0x7;
	v5 =	vmax.f32 v13, v5;
	v13 =	vld [tilespmem:$0x1FF70]  }
0xce: {  	v6 =	vmul.f32 v6, v27;
	v48 =	vadd.s32 s0, v38;
	v55 =	vor.u32 v63, v55;
	v58 =	vld.idx.msk [tilespmem:v58+s19+$0x0], $0xffff  }
0xcf: {  	v53 =	vmax.f32 v1, v0;
	v60 =	vadd.s32 s0, v50;
	v0 =	vmul.f32 v57, v25;
	v57 =	vld [tilespmem:$0x1FFA0]  }
0xd0: {  	v14 =	vmul.f32 v56, v24;
	v63 =	vadd.s32 s0, v21;
	v56 =	vshll.u32 v60, $0x7;
	v11 =	vld.idx.msk [tilespmem:v11+s19+$0x0], $0xffff  }
0xd1: {  	v60 =	vshll.u32 v48, $0x7;
	v48 =	vadd.s32 s0, v42;
	v2 =	vmul.f32 v15, v2;
	v15 =	vld [tilespmem:$0x1FF40]  }
0xd2: {  	v60 =	vor.u32 v39, v60;
	v3 =	vmul.f32 v3, v16;
	v16 =	vld [tilespmem:$0x1FF60];
	v56 =	vor.u32 v61, v56  }
0xd3: {  	v55 =	vld.idx.msk [tilespmem:v55+s19+$0x0], $0xffff;
	v2 =	vmax.f32 v2, v10;
	v10 =	vadd.s32 s0, v34;
	v13 =	vadd.s32 s0, v13  }
0xd4: {  	v7 =	vld.idx.msk [tilespmem:v7+s19+$0x0], $0xffff;
	v0 =	vmax.f32 v14, v0;
	v10 =	vshll.u32 v10, $0x7;
	v13 =	vshll.u32 v13, $0x7  }
0xd5: {  	v1 =	vmul.f32 v58, v26;
	v10 =	vor.u32 v35, v10;
	v13 =	vor.u32 v17, v13;
	v17 =	vld [tilespmem:$0x1FFB0]  }
0xd6: {  	v54 =	vld.idx.msk [tilespmem:v54+s19+$0x0], $0xffff;
	v58 =	vadd.s32 s0, v44;
	v9 =	vmul.f32 v9, v15;
	v15 =	vadd.s32 s3, v42  }
0xd7: {  	v51 =	vshll.u32 v58, $0x7;
	v58 =	vshll.u32 v63, $0x7;
	v8 =	vmul.f32 v8, v16;
	v16 =	vld [tilespmem:$0x1FF90]  }
0xd8: {  	v63 =	vshll.u32 v48, $0x7;
	v15 =	vshll.u32 v15, $0x7;
	v51 =	vor.u32 v45, v51;
	v56 =	vld.idx.msk [tilespmem:v56+s19+$0x0], $0xffff  }
0xd9: {  	v1 =	vmax.f32 v1, v6;
	v14 =	vor.u32 v33, v63;
	v63 =	vld [tilespmem:$0x1FF60];
	v3 =	vmax.f32 v9, v3  }
0xda: {  	v15 =	vor.u32 v33, v15;
	v1 =	vmax.f32 v1, v3;
	v3 =	vld.idx.msk [tilespmem:v60+s19+$0x0], $0xffff;
	v17 =	vadd.s32 s0, v17  }
0xdb: {  	v46 =	vadd.s32 s0, v29;
	v58 =	vor.u32 v28, v58;
	v60 =	vld [tilespmem:$0x1FF30];
	v17 =	vshll.u32 v17, $0x7  }
0xdc: {  	v10 =	vld.idx.msk [tilespmem:v10+s19+$0x0], $0xffff;
	v17 =	vor.u32 v59, v17;
	v59 =	vshll.u32 v46, $0x7  }
0xdd: {  	v13 =	vld.idx.msk [tilespmem:v13+s19+$0x0], $0xffff;
	v59 =	vor.u32 v30, v59  }
0xde: {  	v50 =	vadd.s32 s0, v40;
	v51 =	vld.idx.msk [tilespmem:v51+s19+$0x0], $0xffff  }
0xdf: {  	v62 =	vadd.s32 s0, v19;
	v61 =	vshll.u32 v50, $0x7;
	v16 =	vadd.s32 s0, v16;
	v15 =	vld.idx.msk [tilespmem:v15+s19+$0x0], $0xffff  }
0xe0: {  	v12 =	vmul.f32 v12, v31;
	v61 =	vor.u32 v47, v61;
	v6 =	vld.idx.msk [tilespmem:v58+s19+$0x0], $0xffff;
	v16 =	vshll.u32 v16, $0x7  }
0xe1: {  	v0 =	vmax.f32 v5, v0;
	v46 =	vadd.s32 s0, v41;
	v58 =	vld [tilespmem:$0x1FF10];
	v16 =	vor.u32 v57, v16  }
0xe2: {  	v2 =	vmax.f32 v2, v4;
	v57 =	vshll.u32 v62, $0x7;
	v62 =	vshll.u32 v46, $0x7;
	v9 =	vld.idx.msk [tilespmem:v59+s19+$0x0], $0xffff  }
0xe3: {  	v0 =	vmax.f32 v2, v0;
	v7 =	vmul.f32 v7, v32;
	v62 =	vor.u32 v49, v62;
	v59 =	vld [tilespmem:$0x1FF20]  }
0xe4: {  	v57 =	vor.u32 v20, v57;
	v2 =	vmul.f32 v13, v60;
	v13 =	vld.idx.msk [tilespmem:v14+s19+$0x0], $0xffff;
	v15 =	vmul.f32 v15, v18  }
0xe5: {  	v17 =	vld.idx.msk [tilespmem:v17+s19+$0x0], $0xffff  }
0xe6: {  	v8 =	vmax.f32 v8, v12;
	v16 =	vld.idx.msk [tilespmem:v16+s19+$0x0], $0xffff;
	v7 =	vmax.f32 v7, v15  }
0xe7: {  	v4 =	vmax.f32 v8, v7;
	v8 =	vld.idx.msk [tilespmem:v61+s19+$0x0], $0xffff  }
0xe8: {  	v7 =	vmul.f32 v11, v59;
	v11 =	vld.idx.msk [tilespmem:v62+s19+$0x0], $0xffff  }
0xe9: {  	v3 =	vmul.f32 v3, v63;
	v14 =	vmul.f32 v55, v25;
	v57 =	vld.idx.msk [tilespmem:v57+s19+$0x0], $0xffff  }
0xea: {  	s2 =	sor.u32 s28, s30;
	v12 =	vmul.f32 v51, v43;
	v61 =	vld [tilespmem:$0x1FF40];
	v1 =	vmax.f32 v1, v4;
	v4 =	vmul.f32 v17, v23  }
0xeb: {  	p1 =	sne.s32 s30, $0x0;
	p0 =	seq.s32 s2, $0x0;
	v5 =	vmul.f32 v10, v58;
	v62 =	vld [tilespmem:$0x1FF50];
	v0 =	vmax.f32 v0, v1;
	v10 =	vmul.f32 v16, v22  }
0xec: {  	p0 =	por !p1, !p0;
	v50 =	vld [tilespmem:$0x1FD90];
	v1 =	vmul.f32 v54, v24;
	v4 =	vmax.f32 v4, v12;
	v8 =	vmul.f32 v8, v31  }
0xed: {  	s2 =	simm.s32 $0xFFFFFFFF;
	p0 =	por !p0, !p0;
	v2 =	vmax.f32 v2, v10;
	v10 =	vmul.f32 v11, v32;
	v11 =	vmul.f32 v13, v18  }
0xee: {  	s2 =	simm.s32 @!p0 $0x0;
	v5 =	vmax.f32 v5, v7;
	v7 =	vmul.f32 v56, v26;
	v15 =	vmul.f32 v57, v27;
	v18 =	vld [tilespmem:$0x1FFD0]  }
0xef: {  	s2 =	sshll.u32 s2, $0x2;
	v1 =	vmax.f32 v1, v14;
	v3 =	vmax.f32 v3, v8;
	v8 =	vmax.f32 v10, v11;
	v11 =	vld [tilespmem:$0x1FFE0]  }
0xf0: {  	s2 =	sadd.s32 s29, s2;
	v6 =	vmul.f32 v6, v61;
	v1 =	vmax.f32 v4, v1;
	v9 =	vmul.f32 v9, v62  }
0xf1: {  	v4 =	vor.u32 s31, v50;
	v2 =	vmax.f32 v5, v2;
	v5 =	vmov s2  }
0xf2: {  	v12 =	vld [tilespmem:$0x1FFF0];
	v7 =	vmax.f32 v7, v15;
	v5 =	vshll.u32 v5, $0x7;
	v6 =	vmax.f32 v6, v9  }
0xf3: {  	v1 =	vmax.f32 v2, v1;
	v6 =	vmax.f32 v7, v6;
	v3 =	vmax.f32 v3, v8  }
0xf4: {  	v3 =	vmax.f32 v6, v3;
	v5 =	vadd.s32 v18, v5;
	v8 =	vperm.xlane v52, v11  }
0xf5: {  	v1 =	vmax.f32 v1, v3;
	v5 =	vadd.s32 s30, v5;
	v2 =	vperm.xlane v53, v11  }
0xf6: {  	v9 =	vperm.xlane v1, v11;
	v6 =	vmax.f32 v52, v8;
	v8 =	vperm.xlane v0, v11  }
0xf7: {  	v29 =	vmovc v30;
	v7 =	vor.u32 s3, v50;
	v2 =	vmax.f32 v53, v2;
	v3 =	vperm.xlane v6, v12  }
0xf8: {  	v38 =	vmovc v39;
	v1 =	vmax.f32 v1, v9;
	v10 =	vperm.xlane v2, v12;
	v0 =	vmax.f32 v0, v8  }
0xf9: {  	p0 =	slt.u32 s30, $0x7C;
	v19 =	vmovc v20;
	v21 =	vmovc v28;
	v9 =	vld [tilespmem:$0x1FFB0];
	v8 =	vor.u32 s0, v50;
	v3 =	vmax.f32 v6, v3;
	v6 =	vperm.xlane v0, v12  }
.Ltmp2:
0xfa: {  	v40 =	vmov v47;
	v2 =	vmax.f32 v2, v10;
	v10 =	vld [tilespmem:$0x1FFC0];
	[tilespmem:v5+s24+$0x0] =	vst.idx.msk $0xf, v3;
	v3 =	vperm.xlane v1, v12;
	(pc) =	sbr.rel @p0 .LBB2_3-.Ltmp2, $4  }
0xfb: {  	v42 =	vmovc v33;
	v41 =	vmovc v49;
	v55 =	vmov v25;
	v51 =	vmov v45;
	v17 =	vmov v23;
	v5 =	vld [tilespmem:$0x1FF70]  }
0xfc: {  	v54 =	vmovc v24;
	v16 =	vmov v22;
	v56 =	vmov v26;
	[tilespmem:v4+s24+$0x0] =	vst.idx.msk $0xf, v2;
	v0 =	vmax.f32 v0, v6;
	v6 =	vld [tilespmem:$0x1FF80]  }
0xfd: {  	v57 =	vmovc v27;
	v14 =	vmov v32;
	v13 =	vmov v31;
	[tilespmem:v7+s24+$0x0] =	vst.idx.msk $0xf, v0;
	v7 =	vld [tilespmem:$0x1FF90];
	v0 =	vmax.f32 v1, v3  }
0xfe: {  	v15 =	vmovc v44;
	s30 =	sadd.s32 $0x4, s30;
	v4 =	vmovc v37;
	v2 =	vmov v35;
	v1 =	vmov v34;
	[tilespmem:v8+s24+$0x0] =	vst.idx.msk $0xf, v0;
	v8 =	vld [tilespmem:$0x1FFA0];
	v3 =	vmov v36  }
0xff: {  	s30 =	sshll.u32 s28, $0x10;
	p0 =	seq.s32 s28, $0x4  }
0x100: {  	s0 =	sadd.s32 @!p0 s30, s11  }
0x101: {  	s3 =	simm.s32 @!p0 $0x400;
	s0 =	sshrl.u32 @!p0 s0, $0x3  }
0x102: {  	s31 =	simm.s32 @!p0 $0x800;
	s4 =	simm.s32 @!p0 $0x200;
	s2 =	sadd.s32 @!p0 s1, s0  }
0x103: {  	[tilespmem:s4], [sflag:$0x1] =	stream.strided.gather @!p0 [hbm4b:s2+s3], $0x4000, s31, s3, $0x38;
	[tilespmem:$0x11600] =	vst v63  }
0x104: {  	s0 =	sadd.s32 @!p0 s0, s6;
	s2 =	simm.s32 @!p0 $0x4200  }
0x105: {  	[tilespmem:s2], [sflag:$0x1] =	stream.strided.gather @!p0 [hbm4b:s0+s3], $0x4000, s31, s3, $0x38;
	[tilespmem:$0x11600] =	vst v63  }
0x106: {  	_ =	swait.ge [sflag:s25], $0x4000  }
0x107: {  	s31 =	sor.u32 $0x4, s29;
	[sflag:s25] =	ssyncset.done $0x0  }
0x108: {  	v0 =	vmov s31;
	[sflag:s25] =	ssyncadd.s32 $0xFFFFC000  }
0x109: {  	v0 =	vshll.u32 v0, $0x7;
	_ =	swait.ge [sflag:s25], $0x4000  }
0x10a: {  	v0 =	vadd.s32 v18, v0;
	[sflag:s25] =	ssyncset.done $0x0  }
0x10b: {  	s29 =	simm.s32 $0x0;
	[tilespmem:$0x1FD80] =	vst v0;
	v18 =	vld [tilespmem:$0x1FDA0];
	[sflag:s25] =	ssyncadd.s32 $0xFFFFC000  }
.LBB2_5:
0x10c: {  	v46 =	vld [tilespmem:$0x1FDD0]  }
0x10d: {  	v48 =	vld [tilespmem:$0x1FDF0]  }
0x10e: {  	v50 =	vld [tilespmem:$0x1FE10]  }
0x10f: {  	v19 =	vld [tilespmem:$0x1FE30]  }
0x110: {  	v21 =	vld [tilespmem:$0x1FE50]  }
0x111: {  	v29 =	vld [tilespmem:$0x1FE70]  }
0x112: {  	v38 =	vld [tilespmem:$0x1FE90]  }
0x113: {  	v40 =	vld [tilespmem:$0x1FEB0]  }
0x114: {  	v0 =	vadd.s32 s29, v1;
	v1 =	vadd.s32 s29, v3;
	v41 =	vld [tilespmem:$0x1FED0]  }
0x115: {  	v42 =	vld [tilespmem:$0x1FEF0];
	v0 =	vshll.u32 v0, $0x7;
	v1 =	vshll.u32 v1, $0x7  }
0x116: {  	v52 =	vld [tilespmem:$0x1FF90];
	v0 =	vor.u32 v2, v0;
	v1 =	vor.u32 v4, v1  }
0x117: {  	v53 =	vld [tilespmem:$0x1FF80];
	v2 =	vadd.s32 s29, v5;
	v3 =	vadd.s32 s29, v7;
	v4 =	vadd.s32 s29, v9  }
0x118: {  	v5 =	vadd.s32 s29, v15;
	v9 =	vld [tilespmem:$0x1FE00];
	v2 =	vshll.u32 v2, $0x7;
	v3 =	vshll.u32 v3, $0x7  }
0x119: {  	v4 =	vshll.u32 v4, $0x7;
	v2 =	vor.u32 v6, v2;
	v3 =	vor.u32 v8, v3;
	v8 =	vld [tilespmem:$0x1FDE0]  }
0x11a: {  	v5 =	vshll.u32 v5, $0x7;
	v4 =	vor.u32 v10, v4;
	v10 =	vld [tilespmem:$0x1FE20]  }
0x11b: {  	v11 =	vadd.s32 s29, v29;
	v5 =	vor.u32 v51, v5;
	v51 =	vld [tilespmem:$0x1FDB0]  }
0x11c: {  	v12 =	vadd.s32 s29, v38;
	v11 =	vshll.u32 v11, $0x7;
	v0 =	vld.idx.msk [tilespmem:v0+s21+$0x0], $0xffff  }
0x11d: {  	v13 =	vadd.s32 s29, v40;
	v12 =	vshll.u32 v12, $0x7;
	v1 =	vld.idx.msk [tilespmem:v1+s21+$0x0], $0xffff;
	v11 =	vor.u32 v30, v11  }
0x11e: {  	v14 =	vadd.s32 s29, v41;
	v13 =	vshll.u32 v13, $0x7;
	v12 =	vor.u32 v39, v12;
	v2 =	vld.idx.msk [tilespmem:v2+s21+$0x0], $0xffff  }
0x11f: {  	v15 =	vadd.s32 s29, v42;
	v14 =	vshll.u32 v14, $0x7;
	v13 =	vor.u32 v47, v13;
	v3 =	vld.idx.msk [tilespmem:v3+s21+$0x0], $0xffff  }
0x120: {  	v15 =	vshll.u32 v15, $0x7;
	v14 =	vor.u32 v49, v14;
	v4 =	vld.idx.msk [tilespmem:v4+s21+$0x0], $0xffff  }
0x121: {  	s31 =	sadd.s32 $0x1, s29;
	v7 =	vadd.s32 s29, v48;
	v15 =	vor.u32 v33, v15;
	v5 =	vld.idx.msk [tilespmem:v5+s21+$0x0], $0xffff  }
0x122: {  	v52 =	vadd.s32 s31, v52;
	v6 =	vadd.s32 s29, v46;
	v7 =	vshll.u32 v7, $0x7;
	v11 =	vld.idx.msk [tilespmem:v11+s21+$0x0], $0xffff  }
0x123: {  	v6 =	vshll.u32 v6, $0x7;
	v7 =	vor.u32 v9, v7;
	v9 =	vadd.s32 s29, v19;
	v12 =	vld.idx.msk [tilespmem:v12+s21+$0x0], $0xffff  }
0x124: {  	v9 =	vshll.u32 v9, $0x7;
	v6 =	vor.u32 v8, v6;
	v8 =	vadd.s32 s29, v50;
	v13 =	vld.idx.msk [tilespmem:v13+s21+$0x0], $0xffff  }
0x125: {  	v9 =	vor.u32 v20, v9;
	v8 =	vshll.u32 v8, $0x7;
	v0 =	vmul.f32 v0, v58;
	v14 =	vld.idx.msk [tilespmem:v14+s21+$0x0], $0xffff  }
0x126: {  	v1 =	vmul.f32 v1, v59;
	v15 =	vld.idx.msk [tilespmem:v15+s21+$0x0], $0xffff;
	v8 =	vor.u32 v10, v8;
	v10 =	vadd.s32 s29, v21  }
0x127: {  	v52 =	vshll.u32 v52, $0x7;
	v59 =	vld [tilespmem:$0x1FFA0];
	v10 =	vshll.u32 v10, $0x7;
	v2 =	vmul.f32 v2, v60  }
0x128: {  	v7 =	vld.idx.msk [tilespmem:v7+s21+$0x0], $0xffff;
	v0 =	vmax.f32 v0, v1;
	v3 =	vmul.f32 v3, v16;
	v4 =	vmul.f32 v4, v17  }
0x129: {  	v10 =	vor.u32 v28, v10;
	v6 =	vld.idx.msk [tilespmem:v6+s21+$0x0], $0xffff;
	v5 =	vmul.f32 v5, v18;
	v11 =	vmul.f32 v11, v62  }
0x12a: {  	v9 =	vld.idx.msk [tilespmem:v9+s21+$0x0], $0xffff;
	v16 =	vadd.s32 s31, v34;
	v12 =	vmul.f32 v12, v63;
	v13 =	vmul.f32 v13, v31  }
0x12b: {  	v17 =	vld [tilespmem:$0x1FF70];
	v60 =	vadd.s32 s31, v44;
	v14 =	vmul.f32 v14, v32;
	v15 =	vmul.f32 v15, v51  }
0x12c: {  	v1 =	vshll.u32 v16, $0x7;
	v16 =	vadd.s32 s31, v36;
	v52 =	vor.u32 v59, v52;
	v8 =	vld.idx.msk [tilespmem:v8+s21+$0x0], $0xffff  }
0x12d: {  	v58 =	vld [tilespmem:$0x1FFB0];
	v62 =	vadd.s32 s31, v48;
	v1 =	vor.u32 v35, v1;
	v16 =	vshll.u32 v16, $0x7  }
0x12e: {  	v43 =	vld [tilespmem:$0x1FFC0];
	v2 =	vmax.f32 v2, v3;
	v4 =	vmax.f32 v4, v5;
	v7 =	vmul.f32 v7, v55  }
0x12f: {  	v16 =	vor.u32 v37, v16;
	v0 =	vmax.f32 v0, v2;
	v10 =	vld.idx.msk [tilespmem:v10+s21+$0x0], $0xffff;
	v6 =	vmul.f32 v6, v54  }
0x130: {  	v63 =	vld [tilespmem:$0x1FDE0];
	v9 =	vmul.f32 v9, v57;
	v17 =	vadd.s32 s31, v17;
	v54 =	vshll.u32 v60, $0x7  }
0x131: {  	v60 =	vld [tilespmem:$0x1FE00];
	v17 =	vshll.u32 v17, $0x7;
	v54 =	vor.u32 v45, v54;
	v8 =	vmul.f32 v8, v56  }
0x132: {  	v52 =	vld.idx.msk [tilespmem:v52+s21+$0x0], $0xffff;
	v17 =	vor.u32 v53, v17;
	v53 =	vadd.s32 s31, v58;
	v5 =	vmax.f32 v6, v7  }
0x133: {  	v1 =	vld.idx.msk [tilespmem:v1+s21+$0x0], $0xffff;
	v56 =	vshll.u32 v62, $0x7;
	v53 =	vshll.u32 v53, $0x7;
	v2 =	vmax.f32 v4, v5  }
0x134: {  	v62 =	vld [tilespmem:$0x1FE20];
	v10 =	vmul.f32 v10, v61;
	v53 =	vor.u32 v43, v53;
	v61 =	vadd.s32 s31, v46  }
0x135: {  	v16 =	vld.idx.msk [tilespmem:v16+s21+$0x0], $0xffff;
	v43 =	vadd.s32 s31, v50;
	v8 =	vmax.f32 v8, v9;
	v0 =	vmax.f32 v0, v2  }
0x136: {  	v55 =	vshll.u32 v61, $0x7;
	v56 =	vor.u32 v60, v56;
	v57 =	vshll.u32 v43, $0x7;
	v54 =	vld.idx.msk [tilespmem:v54+s21+$0x0], $0xffff  }
0x137: {  	v61 =	vadd.s32 s31, v19;
	v55 =	vor.u32 v63, v55;
	v9 =	vmax.f32 v10, v11;
	v17 =	vld.idx.msk [tilespmem:v17+s21+$0x0], $0xffff  }
0x138: {  	v10 =	vmax.f32 v12, v13;
	v12 =	vmax.f32 v14, v15;
	v5 =	vmax.f32 v8, v9;
	v8 =	vld [tilespmem:$0x1FF10]  }
0x139: {  	v43 =	vadd.s32 s31, v29;
	v58 =	vshll.u32 v61, $0x7;
	v10 =	vmax.f32 v10, v12;
	v12 =	vld [tilespmem:$0x1FF30]  }
0x13a: {  	v60 =	vshll.u32 v43, $0x7;
	v57 =	vor.u32 v62, v57;
	v5 =	vmax.f32 v5, v10;
	v53 =	vld.idx.msk [tilespmem:v53+s21+$0x0], $0xffff  }
0x13b: {  	v13 =	vmul.f32 v52, v22;
	v58 =	vor.u32 v20, v58;
	v52 =	vmax.f32 v0, v5;
	v5 =	vld [tilespmem:$0x1FF40]  }
0x13c: {  	v60 =	vor.u32 v30, v60;
	v56 =	vld.idx.msk [tilespmem:v56+s21+$0x0], $0xffff  }
0x13d: {  	v63 =	vadd.s32 s31, v21;
	v55 =	vld.idx.msk [tilespmem:v55+s21+$0x0], $0xffff  }
0x13e: {  	v43 =	vadd.s32 s31, v38;
	v59 =	vshll.u32 v63, $0x7;
	v15 =	vmul.f32 v54, v18;
	v18 =	vld [tilespmem:$0x1FF90]  }
0x13f: {  	v61 =	vshll.u32 v43, $0x7;
	v43 =	vadd.s32 s31, v40;
	v59 =	vor.u32 v28, v59;
	v3 =	vld.idx.msk [tilespmem:v57+s21+$0x0], $0xffff  }
0x140: {  	v61 =	vor.u32 v39, v61;
	v62 =	vshll.u32 v43, $0x7;
	v6 =	vld.idx.msk [tilespmem:v58+s21+$0x0], $0xffff  }
0x141: {  	v57 =	vor.u32 v47, v62;
	v4 =	vld.idx.msk [tilespmem:v60+s21+$0x0], $0xffff  }
0x142: {  	v1 =	vmul.f32 v1, v8;
	v8 =	vld [tilespmem:$0x1FF20]  }
0x143: {  	v43 =	vadd.s32 s31, v41;
	v12 =	vmul.f32 v17, v12;
	v17 =	vld [tilespmem:$0x1FF70]  }
0x144: {  	s3 =	sadd.s32 $0x2, s29;
	v43 =	vshll.u32 v43, $0x7;
	v11 =	vld.idx.msk [tilespmem:v59+s21+$0x0], $0xffff  }
0x145: {  	v63 =	vadd.s32 s3, v19;
	v7 =	vor.u32 v49, v43;
	v43 =	vadd.s32 s3, v21;
	v9 =	vld.idx.msk [tilespmem:v61+s21+$0x0], $0xffff  }
0x146: {  	v60 =	vadd.s32 s3, v46;
	v62 =	vadd.s32 s3, v50;
	v59 =	vadd.s32 s3, v44;
	v14 =	vld.idx.msk [tilespmem:v57+s21+$0x0], $0xffff  }
0x147: {  	v61 =	vadd.s32 s3, v48;
	v2 =	vmul.f32 v53, v23;
	v57 =	vadd.s32 s3, v18;
	v18 =	vld [tilespmem:$0x1FF80]  }
0x148: {  	v10 =	vmul.f32 v55, v24;
	v55 =	vshll.u32 v59, $0x7;
	v59 =	vshll.u32 v63, $0x7  }
0x149: {  	v0 =	vmul.f32 v3, v26;
	v3 =	vmul.f32 v6, v27;
	v6 =	vld [tilespmem:$0x1FF50];
	v55 =	vor.u32 v45, v55  }
0x14a: {  	v17 =	vadd.s32 s3, v17;
	v59 =	vor.u32 v20, v59;
	v5 =	vmul.f32 v11, v5;
	v11 =	vld [tilespmem:$0x1FF60]  }
0x14b: {  	v7 =	vld.idx.msk [tilespmem:v7+s21+$0x0], $0xffff;
	v8 =	vmul.f32 v16, v8;
	v16 =	vmul.f32 v56, v25;
	v17 =	vshll.u32 v17, $0x7  }
0x14c: {  	v56 =	vshll.u32 v60, $0x7;
	v60 =	vshll.u32 v43, $0x7;
	v17 =	vor.u32 v18, v17;
	v18 =	vld [tilespmem:$0x1FFB0]  }
0x14d: {  	v12 =	vmax.f32 v12, v13;
	v60 =	vor.u32 v28, v60;
	v10 =	vmax.f32 v10, v16;
	v16 =	vld [tilespmem:$0x1FF50]  }
0x14e: {  	v43 =	vadd.s32 s3, v29;
	v4 =	vmul.f32 v4, v6;
	v6 =	vadd.s32 s31, v42;
	v55 =	vld.idx.msk [tilespmem:v55+s21+$0x0], $0xffff  }
0x14f: {  	v53 =	vshll.u32 v57, $0x7;
	v13 =	vld.idx.msk [tilespmem:v59+s21+$0x0], $0xffff;
	v9 =	vmul.f32 v9, v11;
	v6 =	vshll.u32 v6, $0x7  }
0x150: {  	v59 =	vld [tilespmem:$0x1FE00];
	v11 =	vmul.f32 v14, v31;
	v14 =	vadd.s32 s3, v34;
	v6 =	vor.u32 v33, v6  }
0x151: {  	v1 =	vmax.f32 v1, v8;
	v8 =	vshll.u32 v14, $0x7;
	v58 =	vadd.s32 s3, v18;
	v18 =	vld [tilespmem:$0x1FFA0]  }
0x152: {  	v0 =	vmax.f32 v0, v3;
	v3 =	vmax.f32 v5, v4;
	v4 =	vld.idx.msk [tilespmem:v60+s21+$0x0], $0xffff;
	v8 =	vor.u32 v35, v8  }
0x153: {  	v57 =	vshll.u32 v61, $0x7;
	v14 =	vadd.s32 s3, v36;
	v0 =	vmax.f32 v0, v3;
	v3 =	vld [tilespmem:$0x1FF10]  }
0x154: {  	v61 =	vshll.u32 v43, $0x7;
	v14 =	vshll.u32 v14, $0x7;
	v5 =	vmax.f32 v9, v11;
	v9 =	vld [tilespmem:$0x1FF30]  }
0x155: {  	v43 =	vadd.s32 s3, v38;
	v14 =	vor.u32 v37, v14;
	v54 =	vshll.u32 v58, $0x7;
	v6 =	vld.idx.msk [tilespmem:v6+s21+$0x0], $0xffff  }
0x156: {  	v58 =	vshll.u32 v62, $0x7;
	v62 =	vshll.u32 v43, $0x7;
	v53 =	vor.u32 v18, v53;
	v18 =	vld [tilespmem:$0x1FFC0]  }
0x157: {  	v62 =	vor.u32 v39, v62;
	v8 =	vld.idx.msk [tilespmem:v8+s21+$0x0], $0xffff  }
0x158: {  	v61 =	vor.u32 v30, v61;
	v17 =	vld.idx.msk [tilespmem:v17+s21+$0x0], $0xffff;
	v43 =	vadd.s32 s3, v40  }
0x159: {  	v63 =	vshll.u32 v43, $0x7;
	v43 =	vld [tilespmem:$0x1FDE0]  }
0x15a: {  	v14 =	vld.idx.msk [tilespmem:v14+s21+$0x0], $0xffff  }
0x15b: {  	v7 =	vmul.f32 v7, v32;
	v6 =	vmul.f32 v6, v51;
	v54 =	vor.u32 v18, v54;
	v18 =	vld [tilespmem:$0x1FDE0]  }
0x15c: {  	v3 =	vmul.f32 v8, v3;
	v8 =	vld.idx.msk [tilespmem:v62+s21+$0x0], $0xffff  }
0x15d: {  	v63 =	vor.u32 v47, v63;
	v6 =	vmax.f32 v7, v6;
	v7 =	vld.idx.msk [tilespmem:v61+s21+$0x0], $0xffff  }
0x15e: {  	v5 =	vmax.f32 v5, v6;
	v6 =	vld [tilespmem:$0x1FF20]  }
0x15f: {  	v0 =	vmax.f32 v0, v5;
	v5 =	vld [tilespmem:$0x1FDA0]  }
0x160: {  	v56 =	vor.u32 v18, v56;
	v18 =	vld [tilespmem:$0x1FE00]  }
0x161: {  	v2 =	vmax.f32 v2, v15;
	v54 =	vld.idx.msk [tilespmem:v54+s21+$0x0], $0xffff  }
0x162: {  	v2 =	vmax.f32 v2, v10;
	v10 =	vld.idx.msk [tilespmem:v63+s21+$0x0], $0xffff  }
0x163: {  	s0 =	sadd.s32 $0x3, s29;
	v9 =	vmul.f32 v17, v9;
	v53 =	vld.idx.msk [tilespmem:v53+s21+$0x0], $0xffff;
	v6 =	vmul.f32 v14, v6  }
0x164: {  	v63 =	vadd.s32 s0, v48;
	v7 =	vmul.f32 v7, v16;
	v16 =	vld [tilespmem:$0x1FF60];
	v5 =	vmul.f32 v55, v5  }
0x165: {  	v55 =	vshll.u32 v63, $0x7;
	v3 =	vmax.f32 v3, v6;
	v57 =	vor.u32 v18, v57;
	v18 =	vld [tilespmem:$0x1FE20]  }
0x166: {  	v17 =	vld [tilespmem:$0x1FF80];
	v6 =	vadd.s32 s0, v34;
	v55 =	vor.u32 v59, v55;
	v11 =	vmul.f32 v54, v23  }
0x167: {  	v61 =	vld [tilespmem:$0x1FFC0];
	v6 =	vshll.u32 v6, $0x7  }
0x168: {  	v1 =	vmax.f32 v1, v12;
	v6 =	vor.u32 v35, v6;
	v5 =	vmax.f32 v11, v5;
	v11 =	vld [tilespmem:$0x1FF70]  }
0x169: {  	v1 =	vmax.f32 v1, v2;
	v60 =	vadd.s32 s0, v19;
	v8 =	vmul.f32 v8, v16;
	v16 =	vld [tilespmem:$0x1FF90]  }
0x16a: {  	v2 =	vmul.f32 v53, v22;
	v56 =	vld.idx.msk [tilespmem:v56+s21+$0x0], $0xffff;
	v58 =	vor.u32 v18, v58;
	v18 =	vadd.s32 s3, v41  }
0x16b: {  	v62 =	vadd.s32 s0, v46;
	v46 =	vadd.s32 s0, v50;
	v55 =	vld.idx.msk [tilespmem:v55+s21+$0x0], $0xffff;
	v18 =	vshll.u32 v18, $0x7  }
0x16c: {  	v2 =	vmax.f32 v9, v2;
	v9 =	vadd.s32 s0, v36;
	v57 =	vld.idx.msk [tilespmem:v57+s21+$0x0], $0xffff;
	v15 =	vor.u32 v49, v18  }
0x16d: {  	v50 =	vadd.s32 s0, v42;
	v9 =	vshll.u32 v9, $0x7;
	v6 =	vld.idx.msk [tilespmem:v6+s21+$0x0], $0xffff;
	v11 =	vadd.s32 s0, v11  }
0x16e: {  	v53 =	vmax.f32 v1, v0;
	v9 =	vor.u32 v37, v9;
	v18 =	vld [tilespmem:$0x1FFA0];
	v11 =	vshll.u32 v11, $0x7  }
0x16f: {  	v63 =	vadd.s32 s0, v29;
	v54 =	vshll.u32 v62, $0x7;
	v11 =	vor.u32 v17, v11;
	v17 =	vld [tilespmem:$0x1FFB0]  }
0x170: {  	v59 =	vshll.u32 v63, $0x7;
	v54 =	vor.u32 v43, v54;
	v43 =	vadd.s32 s0, v38;
	v58 =	vld.idx.msk [tilespmem:v58+s21+$0x0], $0xffff  }
0x171: {  	v16 =	vadd.s32 s0, v16;
	v0 =	vmul.f32 v57, v25;
	v57 =	vshll.u32 v60, $0x7;
	v12 =	vld.idx.msk [tilespmem:v15+s21+$0x0], $0xffff  }
0x172: {  	v14 =	vmul.f32 v56, v24;
	v60 =	vshll.u32 v43, $0x7;
	v57 =	vor.u32 v20, v57;
	v15 =	vld [tilespmem:$0x1FF40]  }
0x173: {  	v63 =	vshll.u32 v50, $0x7;
	v9 =	vld.idx.msk [tilespmem:v9+s21+$0x0], $0xffff;
	v16 =	vshll.u32 v16, $0x7;
	v60 =	vor.u32 v39, v60  }
0x174: {  	v0 =	vmax.f32 v14, v0;
	v14 =	vor.u32 v33, v63;
	v63 =	vld [tilespmem:$0x1FF60];
	v17 =	vadd.s32 s0, v17  }
0x175: {  	v59 =	vor.u32 v30, v59;
	v16 =	vor.u32 v18, v16;
	v11 =	vld.idx.msk [tilespmem:v11+s21+$0x0], $0xffff;
	v17 =	vshll.u32 v17, $0x7  }
0x176: {  	v62 =	vadd.s32 s0, v21;
	v1 =	vmul.f32 v58, v26;
	v17 =	vor.u32 v61, v17;
	v61 =	vld [tilespmem:$0x1FE20]  }
0x177: {  	v58 =	vshll.u32 v62, $0x7;
	v57 =	vld.idx.msk [tilespmem:v57+s21+$0x0], $0xffff;
	v4 =	vmul.f32 v4, v15;
	v15 =	vadd.s32 s3, v42  }
0x178: {  	v2 =	vmax.f32 v3, v2;
	v58 =	vor.u32 v28, v58;
	v3 =	vld.idx.msk [tilespmem:v60+s21+$0x0], $0xffff;
	v15 =	vshll.u32 v15, $0x7  }
0x179: {  	v10 =	vmul.f32 v10, v31;
	v18 =	vadd.s32 s0, v44;
	v60 =	vld [tilespmem:$0x1FF30];
	v15 =	vor.u32 v33, v15  }
0x17a: {  	v13 =	vmul.f32 v13, v27;
	v18 =	vshll.u32 v18, $0x7;
	v16 =	vld.idx.msk [tilespmem:v16+s21+$0x0], $0xffff  }
0x17b: {  	v18 =	vor.u32 v45, v18;
	v4 =	vmax.f32 v4, v7;
	v7 =	vmax.f32 v8, v10;
	v10 =	vld.idx.msk [tilespmem:v59+s21+$0x0], $0xffff  }
0x17c: {  	v59 =	vld [tilespmem:$0x1FF20]  }
0x17d: {  	v48 =	vadd.s32 s0, v41;
	v56 =	vshll.u32 v46, $0x7;
	v1 =	vmax.f32 v1, v13;
	v13 =	vld.idx.msk [tilespmem:v58+s21+$0x0], $0xffff  }
0x17e: {  	v62 =	vshll.u32 v48, $0x7;
	v56 =	vor.u32 v61, v56;
	v15 =	vld.idx.msk [tilespmem:v15+s21+$0x0], $0xffff  }
0x17f: {  	v46 =	vadd.s32 s0, v40;
	v62 =	vor.u32 v49, v62;
	v58 =	vld [tilespmem:$0x1FF10]  }
0x180: {  	v18 =	vld.idx.msk [tilespmem:v18+s21+$0x0], $0xffff;
	v61 =	vshll.u32 v46, $0x7  }
0x181: {  	v0 =	vmax.f32 v5, v0;
	v17 =	vld.idx.msk [tilespmem:v17+s21+$0x0], $0xffff;
	v61 =	vor.u32 v47, v61  }
0x182: {  	v0 =	vmax.f32 v2, v0;
	v2 =	vmul.f32 v11, v60;
	v11 =	vld [tilespmem:$0x1FDA0]  }
0x183: {  	v12 =	vmul.f32 v12, v32;
	v56 =	vld.idx.msk [tilespmem:v56+s21+$0x0], $0xffff;
	v15 =	vmul.f32 v15, v51  }
0x184: {  	v5 =	vmul.f32 v6, v58;
	v6 =	vmul.f32 v9, v59;
	v9 =	vld.idx.msk [tilespmem:v62+s21+$0x0], $0xffff  }
0x185: {  	v8 =	vmax.f32 v12, v15;
	v12 =	vld.idx.msk [tilespmem:v14+s21+$0x0], $0xffff  }
0x186: {  	v1 =	vmax.f32 v1, v4;
	v4 =	vmax.f32 v7, v8;
	v7 =	vld.idx.msk [tilespmem:v61+s21+$0x0], $0xffff  }
0x187: {  	v3 =	vmul.f32 v3, v63;
	v62 =	vld [tilespmem:$0x1FF50]  }
0x188: {  	v54 =	vld.idx.msk [tilespmem:v54+s21+$0x0], $0xffff;
	v11 =	vmul.f32 v18, v11;
	v5 =	vmax.f32 v5, v6;
	v14 =	vmul.f32 v55, v25  }
0x189: {  	v6 =	vmul.f32 v56, v26;
	v61 =	vld [tilespmem:$0x1FF40];
	v1 =	vmax.f32 v1, v4;
	v4 =	vmul.f32 v17, v23  }
0x18a: {  	v15 =	vmul.f32 v57, v27;
	v9 =	vmul.f32 v9, v32  }
0x18b: {  	v19 =	vld [tilespmem:$0x1FD80];
	v4 =	vmax.f32 v4, v11;
	v11 =	vmul.f32 v12, v51;
	v7 =	vmul.f32 v7, v31  }
0x18c: {  	v10 =	vmul.f32 v10, v62;
	v8 =	vmul.f32 v16, v22  }
0x18d: {  	v0 =	vmax.f32 v0, v1;
	v3 =	vmax.f32 v3, v7;
	v7 =	vmax.f32 v9, v11;
	v11 =	vld [tilespmem:$0x1FFE0]  }
0x18e: {  	v1 =	vmul.f32 v54, v24;
	v2 =	vmax.f32 v2, v8;
	v8 =	vmul.f32 v13, v61  }
0x18f: {  	v6 =	vmax.f32 v6, v15;
	v2 =	vmax.f32 v5, v2  }
0x190: {  	v5 =	vor.u32 s31, v19;
	v1 =	vmax.f32 v1, v14;
	v12 =	vld [tilespmem:$0x1FFF0];
	v8 =	vmax.f32 v8, v10  }
0x191: {  	v1 =	vmax.f32 v4, v1;
	v6 =	vmax.f32 v6, v8;
	v3 =	vmax.f32 v3, v7  }
0x192: {  	v1 =	vmax.f32 v2, v1;
	v3 =	vmax.f32 v6, v3;
	v8 =	vperm.xlane v52, v11  }
0x193: {  	v7 =	vor.u32 s29, v19;
	v1 =	vmax.f32 v1, v3;
	v2 =	vperm.xlane v53, v11  }
0x194: {  	v9 =	vperm.xlane v1, v11;
	v6 =	vmax.f32 v52, v8;
	v8 =	vperm.xlane v0, v11  }
0x195: {  	v4 =	vor.u32 s3, v19;
	v2 =	vmax.f32 v53, v2;
	v3 =	vperm.xlane v6, v12  }
0x196: {  	v18 =	vld [tilespmem:$0x1FDA0];
	v1 =	vmax.f32 v1, v9;
	v10 =	vperm.xlane v2, v12;
	v0 =	vmax.f32 v0, v8  }
0x197: {  	p1 =	slt.u32 s29, $0x7C;
	v9 =	vld [tilespmem:$0x1FFB0];
	v8 =	vor.u32 s0, v19;
	v3 =	vmax.f32 v6, v3;
	v6 =	vperm.xlane v0, v12  }
.Ltmp3:
0x198: {  	v2 =	vmax.f32 v2, v10;
	v10 =	vld [tilespmem:$0x1FFC0];
	[tilespmem:v7+s24+$0x0] =	vst.idx.msk $0xf, v3;
	v3 =	vperm.xlane v1, v12;
	(pc) =	sbr.rel @p1 .LBB2_5-.Ltmp3, $4  }
0x199: {  	v55 =	vmov v25;
	v7 =	vld [tilespmem:$0x1FF90]  }
0x19a: {  	v56 =	vmovc v26;
	v57 =	vmov v27;
	v16 =	vmov v22;
	[tilespmem:v5+s24+$0x0] =	vst.idx.msk $0xf, v2;
	v5 =	vld [tilespmem:$0x1FF70];
	v0 =	vmax.f32 v0, v6  }
0x19b: {  	v17 =	vmovc v23;
	v54 =	vmov v24;
	v15 =	vmov v44;
	v6 =	vld [tilespmem:$0x1FF80];
	[tilespmem:v4+s24+$0x0] =	vst.idx.msk $0xf, v0;
	v0 =	vmax.f32 v1, v3  }
0x19c: {  	v51 =	vmovc v45;
	s29 =	sadd.s32 $0x4, s29;
	v2 =	vmovc v35;
	v4 =	vmov v37;
	v1 =	vmov v34;
	[tilespmem:v8+s24+$0x0] =	vst.idx.msk $0xf, v0;
	v8 =	vld [tilespmem:$0x1FFA0];
	v3 =	vmov v36  }
.Ltmp4:
0x19d: {  	(pc) =	sbr.rel @p0 .LBB2_8-.Ltmp4, $1  }
0x19e: {  	_ =	sdelay $0x3  }
0x19f: {  	s0 =	sadd.s32 s30, s12  }
.Ltmp5:
0x1a0: {  	s0 =	sshrl.u32 s0, $0x3;
	(pc) =	sbr.rel .LBB2_2-.Ltmp5, $4  }
0x1a1: {  	s2 =	sadd.s32 s1, s0  }
0x1a2: {  	[tilespmem:s21], [sflag:$0x2] =	stream.strided.gather [hbm4b:s2+s17], $0x4000, s18, s17, $0x38;
	[tilespmem:$0x11600] =	vst v63  }
0x1a3: {  	s28 =	sadd.s32 $0x1, s28;
	s0 =	sadd.s32 s0, s6  }
0x1a4: {  	v13 =	vmov v31;
	v14 =	vmov v32;
	v18 =	vld [tilespmem:$0x1FFD0];
	[tilespmem:s22], [sflag:$0x2] =	stream.strided.gather [hbm4b:s0+s17], $0x4000, s18, s17, $0x38  }
.LBB2_9:
0x1a5: {  	_ =	sfence.sel $0x180000  }
0x1a6: {  	[bflag:$0x0] =	sbarrier.arrive $0xFFFF  }
0x1a7: {  	_ =	strace $0x90000047  }
0x1a8: {  	s0 =	stileid.u32;
	[bflag:$0x2] =	sbarrier.arrive $0xFFFF  }
0x1a9: {  	p0 =	sne.s32 s0, $0x0;
	s0 =	rddreg [dreg:$0x4]  }
0x1aa: {  	s0 =	sadd.s32 @!p0 $0x100000, s0  }
0x1ab: {  	[sflag:s0] =	ssyncadd.tile.s32 @!p0 $0x1;
	_ =	shalt  }
.Lfunc_end2:
_tile_overlayer_lowered:
.L_overlay_start_2:
0x1ac: {  	(tag) =	ssettag $0x2  }
0x1ad: {  	s0 =	rddreg [dreg:$0x0];
	s2 =	stileid.u32  }
0x1ae: {  	s1 =	rddreg [dreg:$0x1];
	p0 =	sne.s32 s2, $0x0  }
0x1af: {  	s3 =	rddreg [dreg:$0x2];
	[bflag:$0x3] =	sbarrier.arrive $0xFFFF;
	s2 =	simm.s32 @!p0 $0x1C03  }
0x1b0: {  	[timem:s3], [sflag:s2] =	dma.local @!p0 [hbm:s0], s1  }
0x1b1: {  	s0 =	simm.s32 @!p0 $0x3  }
0x1b2: {  	_ =	swait.ge @!p0 [sflag:s0], s1  }
0x1b3: {  	s1 =	ssub.s32 @!p0 $0x0, s1;
	[sflag:s0] =	ssyncset.done @!p0 $0x0  }
0x1b4: {  	[sflag:s0] =	ssyncadd.s32 @!p0 s1  }
0x1b5: {  	[bflag:$0x3] =	sbarrier.arrive $0xFFFF  }
0x1b6: {  	_ =	shalt  }

</sc_bundles>
